<compile_context>
chip_gen: v7x
topology: tpu7x:2x2x1
jax: 0.10.2.dev20260603
libtpu: 0.0.44.dev20260713+nightly
codegen_flags: <defaults>
</compile_context>

<pallas_src>
import functools

import numpy as np
import jax
import jax.numpy as jnp
from jax import lax
from jax.experimental import pallas as pl
from jax.experimental.pallas import tpu as pltpu
from jax.experimental.pallas import tpu_sc as plsc

KNBR = 8
WIN = 1
IBITS = 12
IMASK = (1 << IBITS) - 1
MAXI = 2**31 - 1
CLAMP_LO = 1e-8
CLAMP_HI = 512.0
C0BITS = int(np.frombuffer(np.float32(CLAMP_LO).tobytes(), np.int32)[0])


def _precompute_pq(feats, xyz_q, Wf, Wx, wt, bias, B, T, N, H):
    M = T * B * N
    Cin = feats.shape[-1]

    def body(f_ref, x_ref, wf_ref, wx_ref, wt_ref, b_ref, p_ref, q_ref):
        t = pl.program_id(0).astype(jnp.float32)
        y = jnp.dot(f_ref[0, 0], wf_ref[...],
                    preferred_element_type=jnp.float32)
        y = y + jnp.dot(x_ref[0, 0], wx_ref[...],
                        preferred_element_type=jnp.float32)
        y = y + b_ref[0:1, :] + t * wt_ref[0:1, :]
        p_ref[...] = y[:, :H]
        q_ref[...] = y[:, H:]

    return pl.pallas_call(
        body,
        grid=(T, B),
        in_specs=[
            pl.BlockSpec((1, 1, N, Cin), lambda t, b: (b, t, 0, 0)),
            pl.BlockSpec((1, 1, N, 8), lambda t, b: (t, b, 0, 0)),
            pl.BlockSpec((Cin, 2 * H), lambda t, b: (0, 0)),
            pl.BlockSpec((8, 2 * H), lambda t, b: (0, 0)),
            pl.BlockSpec((8, 2 * H), lambda t, b: (0, 0)),
            pl.BlockSpec((8, 2 * H), lambda t, b: (0, 0)),
        ],
        out_specs=[
            pl.BlockSpec((N, H), lambda t, b: (t * B + b, 0)),
            pl.BlockSpec((N, H), lambda t, b: (t * B + b, 0)),
        ],
        out_shape=[
            jax.ShapeDtypeStruct((M, H), jnp.float32),
            jax.ShapeDtypeStruct((M, H), jnp.float32),
        ],
    )(feats, xyz_q, Wf, Wx, wt, bias)


def _knn_indices_pair(xyz_q2, xyz_c, ts, B, T, N):
    NB = 1024
    t0s = [max(0, t - WIN) for t in ts]
    F = min(ts[0] + WIN, T - 1) - t0s[0] + 1
    dt = ts[1] - ts[0]
    dt0 = t0s[1] - t0s[0]
    NMASK = ~(N - 1)

    def body(q_ref, *refs):
        c_refs = refs[:F]
        o_ref = refs[F]
        u = pl.program_id(0)
        b = pl.program_id(1)
        q2 = q_ref[0, 0]
        qn = 0.25 * jnp.sum(q2 * q2, axis=1)
        tiles = []
        for c_ref in c_refs:
            c = c_ref[0, 0]
            cn = jnp.sum(c * c, axis=0)
            dot2 = jnp.dot(q2, c, preferred_element_type=jnp.float32)
            tiles.append(qn[:, None] + cn[None, :] + dot2)
        d2 = jnp.concatenate(tiles, axis=1) if F > 1 else tiles[0]
        ji = lax.broadcasted_iota(jnp.int32, (NB, F * N), 1)
        bits = lax.bitcast_convert_type(jnp.maximum(d2, CLAMP_LO), jnp.int32)
        key = (((bits - C0BITS) << 2) & ~IMASK) | ji
        picks = []
        for _ in range(KNBR):
            m = jnp.min(key, axis=1, keepdims=True)
            picks.append(m[:, 0] & IMASK)
            key = jnp.where(key == m, MAXI, key)
        j = jnp.stack(picks, axis=1)
        t0 = t0s[0] + dt0 * u
        o_ref[0, 0] = j + (j & NMASK) * (B - 1) + (t0 * B + b) * N

    in_specs = [pl.BlockSpec(
        (1, 1, NB, 8), lambda u, b, i: (ts[0] + dt * u, b, i, 0))]
    for fo in range(F):
        in_specs.append(pl.BlockSpec(
            (1, 1, 8, N),
            lambda u, b, i, fo=fo: (t0s[0] + dt0 * u + fo, b, 0, 0)))

    return pl.pallas_call(
        body,
        grid=(2, B, N // NB),
        in_specs=in_specs,
        out_specs=pl.BlockSpec(
            (1, 1, NB, KNBR), lambda u, b, i: (u, b, i, 0)),
        out_shape=jax.ShapeDtypeStruct((2, B, N, KNBR), jnp.int32),
    )(xyz_q2, *([xyz_c] * F))


def _gather_rows(table, idx):
    NE = idx.shape[0]
    H = table.shape[1]
    info = plsc.get_sparse_core_info()
    NW = info.num_cores * info.num_subcores
    NC = info.num_cores
    per_w = NE // NW
    CH = 128
    nchunk = per_w // CH
    mesh = plsc.VectorSubcoreMesh(core_axis_name="c", subcore_axis_name="s")

    @functools.partial(
        pl.kernel,
        mesh=mesh,
        out_type=jax.ShapeDtypeStruct((NE, H), jnp.float32),
        scratch_types=[
            pltpu.VMEM((per_w,), jnp.int32),
            pltpu.VMEM((CH, H), jnp.float32),
            pltpu.VMEM((CH, H), jnp.float32),
            pltpu.SemaphoreType.DMA,
            pltpu.SemaphoreType.DMA,
            pltpu.SemaphoreType.DMA,
            pltpu.SemaphoreType.DMA,
        ],
    )
    def gk(idx_hbm, table_hbm, out_hbm, idx_v, rows0, rows1, g0, g1, s0, s1):
        wid = lax.axis_index("s") * NC + lax.axis_index("c")
        base = wid * per_w
        pltpu.sync_copy(idx_hbm.at[pl.ds(base, per_w)], idx_v)
        bufs = (rows0, rows1)
        gsems = (g0, g1)
        ssems = (s0, s1)

        def start_gather(c):
            return pltpu.async_copy(
                table_hbm.at[idx_v.at[pl.ds(c * CH, CH)]],
                bufs[c % 2], gsems[c % 2])

        gh = [None, None]
        sh = [None, None]
        gh[0] = start_gather(0)
        for c in range(nchunk):
            nxt = c + 1
            if nxt < nchunk:
                if sh[nxt % 2] is not None:
                    sh[nxt % 2].wait()
                gh[nxt % 2] = start_gather(nxt)
            gh[c % 2].wait()
            sh[c % 2] = pltpu.async_copy(
                bufs[c % 2], out_hbm.at[pl.ds(base + c * CH, CH)],
                ssems[c % 2])
        for s in sh:
            if s is not None:
                s.wait()

    return gk(idx, table)


def _mlp2_maxpool_pair(Pg, Q, W2, b2t, ts, Mu, H, Cout):
    PB = 1024
    nb = Mu // PB
    qb0 = ts[0] * nb
    dqb = (ts[1] - ts[0]) * nb

    def body(pg_ref, q_ref, w_ref, b_ref, o_ref):
        q = q_ref[...]
        p = pg_ref[...]
        h = jnp.maximum(p.reshape(PB, KNBR, H) + q[:, None, :], 0.0)
        e = jnp.dot(h.reshape(PB * KNBR, H), w_ref[...],
                    preferred_element_type=jnp.float32) + b_ref[0:1, :]
        e = jnp.maximum(e, 0.0)
        o_ref[...] = jnp.max(e.reshape(PB, KNBR, Cout), axis=1)

    return pl.pallas_call(
        body,
        grid=(2, nb),
        in_specs=[
            pl.BlockSpec((PB * KNBR, H), lambda u, i: (u * nb + i, 0)),
            pl.BlockSpec((PB, H), lambda u, i: (qb0 + dqb * u + i, 0)),
            pl.BlockSpec((H, Cout), lambda u, i: (0, 0)),
            pl.BlockSpec((8, Cout), lambda u, i: (0, 0)),
        ],
        out_specs=pl.BlockSpec((PB, Cout), lambda u, i: (u * nb + i, 0)),
        out_shape=jax.ShapeDtypeStruct((2 * Mu, Cout), jnp.float32),
    )(Pg, Q, W2, b2t)


def kernel(feats, xyz, W1, b1, W2, b2):
    B, T, N, Cin = feats.shape
    H = W1.shape[1]
    Cout = W2.shape[1]
    M = T * B * N

    W1a = W1[:Cin]
    W1b = W1[Cin:2 * Cin]
    W1c3 = W1[2 * Cin:2 * Cin + 3]
    W1ct = W1[2 * Cin + 3:2 * Cin + 4] / jnp.maximum(1.0, jnp.float32(WIN))
    zpad = jnp.zeros((5, 2 * H), jnp.float32)
    Wf = jnp.concatenate([W1b, W1a], axis=1)
    Wx = jnp.concatenate(
        [jnp.concatenate([W1c3, -W1c3], axis=1), zpad], axis=0)
    wt = jnp.broadcast_to(
        jnp.concatenate([W1ct, -W1ct], axis=1), (8, 2 * H))
    bias = jnp.concatenate([jnp.zeros((H,), jnp.float32), b1])
    bias = jnp.broadcast_to(bias[None, :], (8, 2 * H))
    b2t = jnp.broadcast_to(b2[None, :], (8, Cout))

    xyz_t = jnp.swapaxes(xyz, 0, 1)
    xyz_q = jnp.concatenate(
        [xyz_t, jnp.zeros((T, B, N, 5), jnp.float32)], axis=-1)
    xyz_c = jnp.swapaxes(xyz_q, 2, 3)
    xyz_q2 = -2.0 * xyz_q

    P, Q = _precompute_pq(feats, xyz_q, Wf, Wx, wt, bias, B, T, N, H)

    outs = [None] * T
    Mu = B * N
    pairs = [(tp, T - 1 - tp) for tp in range(T // 2)]
    pgs = []
    for ts in pairs:
        knn = _knn_indices_pair(xyz_q2, xyz_c, ts, B, T, N)
        idx = knn.reshape(2 * Mu * KNBR)
        pgs.append(_gather_rows(P, idx))
    for ts, Pg in zip(pairs, pgs):
        op = _mlp2_maxpool_pair(Pg, Q, W2, b2t, ts, Mu, H, Cout)
        outs[ts[0]] = op[:Mu].reshape(B, N, Cout)
        outs[ts[1]] = op[Mu:].reshape(B, N, Cout)

    return jnp.stack(outs, axis=1)

# --- scband reference (transcript-rebuilt; emitter-appended) ---
"""Pipeline reference for scband-p4-dconv-lite-1211180777611 (READ-ONLY COPY).

The authoritative reference and input builder live on the scoring server;
editing this copy changes nothing except your own understanding.
"""

import jax, jax.numpy as jnp
import numpy as np

B, T, N, CIN = 2, 4, 1024, 128
K = 8
TW = 1
HIDDEN = 128
COUT = 128
EDGE_IN = 2 * CIN + 4


def setup_inputs(seed: int = 0) -> dict:
    key = jax.random.key(seed)
    ks = jax.random.split(key, 6)
    feats = jax.random.normal(ks[0], (B, T, N, CIN), dtype=jnp.float32)
    xyz = jax.random.normal(ks[1], (B, T, N, 3), dtype=jnp.float32)
    W1 = jax.random.normal(ks[2], (EDGE_IN, HIDDEN), dtype=jnp.float32) * 0.05
    b1 = jnp.zeros((HIDDEN,), dtype=jnp.float32)
    W2 = jax.random.normal(ks[3], (HIDDEN, COUT), dtype=jnp.float32) * 0.05
    b2 = jnp.zeros((COUT,), dtype=jnp.float32)
    return {"feats": feats, "xyz": xyz, "W1": W1, "b1": b1, "W2": W2, "b2": b2}


def reference(feats, xyz, W1, b1, W2, b2):
    B_, T_, N_, Cin = feats.shape
    w = TW
    outs = []
    for t in range(T_):
        t0 = max(0, t - w)
        t1 = min(T_ - 1, t + w)
        F = t1 - t0 + 1
        xyz_w = xyz[:, t0:t1 + 1].reshape(B_, F * N_, 3)
        feats_w = feats[:, t0:t1 + 1].reshape(B_, F * N_, Cin)
        # pairwise squared distances (monotone in torch.cdist p=2, same topk indices)
        sq = jnp.sum(xyz_w * xyz_w, axis=-1)
        d2 = sq[:, :, None] + sq[:, None, :] - 2.0 * jnp.einsum('bmd,bnd->bmn', xyz_w, xyz_w)
        kk = min(K, F * N_)
        _, knn_w = jax.lax.top_k(-d2, kk)  # (B, F*N, kk) smallest distances
        center_offset = (t - t0) * N_
        center_ids = jnp.arange(center_offset, center_offset + N_)
        c_xyz = xyz_w[:, center_ids]            # (B, N, 3)
        c_feats = feats_w[:, center_ids]        # (B, N, Cin)
        n_ids = knn_w[:, center_ids]            # (B, N, kk)
        n_xyz = jax.vmap(lambda xw, ids: xw[ids])(xyz_w, n_ids)      # (B, N, kk, 3)
        n_feats = jax.vmap(lambda fw, ids: fw[ids])(feats_w, n_ids)  # (B, N, kk, Cin)
        rel_xyz = n_xyz - c_xyz[:, :, None, :]
        n_frame = (n_ids // N_).astype(rel_xyz.dtype)
        rel_t = (n_frame - float(t - t0)) / max(1.0, float(w))
        rel = jnp.concatenate([rel_xyz, rel_t[..., None]], axis=-1)  # (B, N, kk, 4)
        c_exp = jnp.broadcast_to(c_feats[:, :, None, :], n_feats.shape[:3] + (Cin,))
        edge = jnp.concatenate([c_exp, n_feats, rel], axis=-1)       # (B, N, kk, 2*Cin+4)
        h = jax.nn.relu(edge @ W1 + b1)
        e = jax.nn.relu(h @ W2 + b2)
        out = jnp.max(e, axis=2)  # (B, N, Cout)
        outs.append(out)
    return jnp.stack(outs, axis=1)  # (B, T, N, Cout)

if __name__ == "__main__":
    import jax
    _d = setup_inputs()
    print(jax.jit(kernel)(*tuple(_d.values())))

</pallas_src>

<mosaic_0001>
#map = affine_map<(d0, d1) -> (0)>
#map1 = affine_map<(d0, d1) -> (0, 0)>
module attributes {stable_mosaic.version = 14 : i64} {
  func.func @gk(%arg0: i32, %arg1: i32, %arg2: memref<32768xi32, #tpu.memory_space<hbm>>, %arg3: memref<8192x128xf32, #tpu.memory_space<hbm>>, %arg4: memref<32768x128xf32, #tpu.memory_space<hbm>>, %arg5: memref<1024xi32, #tpu.memory_space<vmem>>, %arg6: memref<128x128xf32, #tpu.memory_space<vmem>>, %arg7: memref<128x128xf32, #tpu.memory_space<vmem>>, %arg8: memref<!tpu.dma_semaphore, #tpu.memory_space<semaphore_mem>>, %arg9: memref<!tpu.dma_semaphore, #tpu.memory_space<semaphore_mem>>, %arg10: memref<!tpu.dma_semaphore, #tpu.memory_space<semaphore_mem>>, %arg11: memref<!tpu.dma_semaphore, #tpu.memory_space<semaphore_mem>>) attributes {dimension_semantics = [#tpu.dimension_semantics<core_parallel>, #tpu.dimension_semantics<subcore_parallel>], iteration_bounds = array<i64: 2, 16>, scalar_prefetch = 0 : i64, scratch_operands = 7 : i64, tpu.core_type = #tpu.core_type<sc_vector_subcore>, window_params = [{transform_indices = #map}, {transform_indices = #map1}, {transform_indices = #map1}]} {
    %mul3A = arith.constant 2 : i32
    %mul3A_0 = arith.muli %arg1, %mul3A : i32
    %add3A = arith.addi %mul3A_0, %arg0 : i32
    %mul3A_1 = arith.constant 1024 : i32
    %mul3A_2 = arith.muli %add3A, %mul3A_1 : i32
    "tpu.region"() ({
      %run_scoped3A = tpu.sem_alloc : memref<!tpu.dma_semaphore, #tpu.memory_space<semaphore_mem>>
      %dma_start3A_161 = tpu.memref_slice %arg2[%mul3A_2] : memref<32768xi32, #tpu.memory_space<hbm>> -> memref<1024xi32, #tpu.memory_space<hbm>>
      %dma_start3A_162 = tpu.memref_slice %arg2[%mul3A_2] : memref<32768xi32, #tpu.memory_space<hbm>> -> memref<1024xi32, #tpu.memory_space<hbm>>
      tpu.enqueue_dma source(%dma_start3A_162 : memref<1024xi32, #tpu.memory_space<hbm>>) target(%arg5 : memref<1024xi32, #tpu.memory_space<vmem>>) target_semaphore(%run_scoped3A : memref<!tpu.dma_semaphore, #tpu.memory_space<semaphore_mem>>)
      %dma_wait3A_163 = tpu.memref_slice %arg2[%mul3A_2] : memref<32768xi32, #tpu.memory_space<hbm>> -> memref<1024xi32, #tpu.memory_space<hbm>>
      %dma_wait3A_164 = tpu.memref_slice %arg2[%mul3A_2] : memref<32768xi32, #tpu.memory_space<hbm>> -> memref<1024xi32, #tpu.memory_space<hbm>>
      tpu.wait_dma2 semaphore(%run_scoped3A : memref<!tpu.dma_semaphore, #tpu.memory_space<semaphore_mem>>) src(%dma_wait3A_164 : memref<1024xi32, #tpu.memory_space<hbm>>) dst(%arg5 : memref<1024xi32, #tpu.memory_space<vmem>>)
      tpu.yield
    }) : () -> ()
    %dma_start3A = arith.constant 0 : i32
    %dma_start3A_3 = tpu.memref_slice %arg5[%dma_start3A] : memref<1024xi32, #tpu.memory_space<vmem>> -> memref<128xi32, #tpu.memory_space<vmem>>
    %dma_start3A_4 = arith.constant 0 : i32
    %dma_start3A_5 = arith.constant 0 : i32
    %dma_start3A_6 = tpu.memref_slice %arg3[%dma_start3A_4, %dma_start3A_5] : memref<8192x128xf32, #tpu.memory_space<hbm>> -> memref<8192x128xf32, #tpu.memory_space<hbm>>
    tpu.enqueue_indirect_dma source(%dma_start3A_6 : memref<8192x128xf32, #tpu.memory_space<hbm>>) target(%arg6 : memref<128x128xf32, #tpu.memory_space<vmem>>) offsets(%dma_start3A_3 : memref<128xi32, #tpu.memory_space<vmem>>) semaphore(%arg8 : memref<!tpu.dma_semaphore, #tpu.memory_space<semaphore_mem>>)
    %dma_start3A_7 = arith.constant 128 : i32
    %dma_start3A_8 = tpu.memref_slice %arg5[%dma_start3A_7] : memref<1024xi32, #tpu.memory_space<vmem>> -> memref<128xi32, #tpu.memory_space<vmem>>
    %dma_start3A_9 = arith.constant 0 : i32
    %dma_start3A_10 = arith.constant 0 : i32
    %dma_start3A_11 = tpu.memref_slice %arg3[%dma_start3A_9, %dma_start3A_10] : memref<8192x128xf32, #tpu.memory_space<hbm>> -> memref<8192x128xf32, #tpu.memory_space<hbm>>
    tpu.enqueue_indirect_dma source(%dma_start3A_11 : memref<8192x128xf32, #tpu.memory_space<hbm>>) target(%arg7 : memref<128x128xf32, #tpu.memory_space<vmem>>) offsets(%dma_start3A_8 : memref<128xi32, #tpu.memory_space<vmem>>) semaphore(%arg9 : memref<!tpu.dma_semaphore, #tpu.memory_space<semaphore_mem>>)
    %dma_wait3A = arith.constant 0 : i32
    %dma_wait3A_12 = tpu.memref_slice %arg5[%dma_wait3A] : memref<1024xi32, #tpu.memory_space<vmem>> -> memref<128xi32, #tpu.memory_space<vmem>>
    %dma_wait3A_13 = arith.constant 0 : i32
    %dma_wait3A_14 = arith.constant 0 : i32
    %dma_wait3A_15 = tpu.memref_slice %arg3[%dma_wait3A_13, %dma_wait3A_14] : memref<8192x128xf32, #tpu.memory_space<hbm>> -> memref<8192x128xf32, #tpu.memory_space<hbm>>
    tpu.wait_indirect_dma semaphore(%arg8 : memref<!tpu.dma_semaphore, #tpu.memory_space<semaphore_mem>>) src(%dma_wait3A_15 : memref<8192x128xf32, #tpu.memory_space<hbm>>) dst(%arg6 : memref<128x128xf32, #tpu.memory_space<vmem>>)
    %add3A_16 = arith.constant 0 : i32
    %add3A_17 = arith.addi %mul3A_2, %add3A_16 : i32
    %dma_start3A_18 = arith.constant 0 : i32
    %dma_start3A_19 = tpu.memref_slice %arg4[%add3A_17, %dma_start3A_18] : memref<32768x128xf32, #tpu.memory_space<hbm>> -> memref<128x128xf32, #tpu.memory_space<hbm>>
    %dma_start3A_20 = arith.constant 0 : i32
    %dma_start3A_21 = tpu.memref_slice %arg4[%add3A_17, %dma_start3A_20] : memref<32768x128xf32, #tpu.memory_space<hbm>> -> memref<128x128xf32, #tpu.memory_space<hbm>>
    tpu.enqueue_dma source(%arg6 : memref<128x128xf32, #tpu.memory_space<vmem>>) target(%dma_start3A_21 : memref<128x128xf32, #tpu.memory_space<hbm>>) target_semaphore(%arg10 : memref<!tpu.dma_semaphore, #tpu.memory_space<semaphore_mem>>)
    %dma_wait3A_22 = arith.constant 0 : i32
    %dma_wait3A_23 = tpu.memref_slice %arg4[%add3A_17, %dma_wait3A_22] : memref<32768x128xf32, #tpu.memory_space<hbm>> -> memref<128x128xf32, #tpu.memory_space<hbm>>
    %dma_wait3A_24 = arith.constant 0 : i32
    %dma_wait3A_25 = tpu.memref_slice %arg4[%add3A_17, %dma_wait3A_24] : memref<32768x128xf32, #tpu.memory_space<hbm>> -> memref<128x128xf32, #tpu.memory_space<hbm>>
    tpu.wait_dma2 semaphore(%arg10 : memref<!tpu.dma_semaphore, #tpu.memory_space<semaphore_mem>>) src(%arg6 : memref<128x128xf32, #tpu.memory_space<vmem>>) dst(%dma_wait3A_25 : memref<128x128xf32, #tpu.memory_space<hbm>>)
    %dma_start3A_26 = arith.constant 256 : i32
    %dma_start3A_27 = tpu.memref_slice %arg5[%dma_start3A_26] : memref<1024xi32, #tpu.memory_space<vmem>> -> memref<128xi32, #tpu.memory_space<vmem>>
    %dma_start3A_28 = arith.constant 0 : i32
    %dma_start3A_29 = arith.constant 0 : i32
    %dma_start3A_30 = tpu.memref_slice %arg3[%dma_start3A_28, %dma_start3A_29] : memref<8192x128xf32, #tpu.memory_space<hbm>> -> memref<8192x128xf32, #tpu.memory_space<hbm>>
    tpu.enqueue_indirect_dma source(%dma_start3A_30 : memref<8192x128xf32, #tpu.memory_space<hbm>>) target(%arg6 : memref<128x128xf32, #tpu.memory_space<vmem>>) offsets(%dma_start3A_27 : memref<128xi32, #tpu.memory_space<vmem>>) semaphore(%arg8 : memref<!tpu.dma_semaphore, #tpu.memory_space<semaphore_mem>>)
    %dma_wait3A_31 = arith.constant 128 : i32
    %dma_wait3A_32 = tpu.memref_slice %arg5[%dma_wait3A_31] : memref<1024xi32, #tpu.memory_space<vmem>> -> memref<128xi32, #tpu.memory_space<vmem>>
    %dma_wait3A_33 = arith.constant 0 : i32
    %dma_wait3A_34 = arith.constant 0 : i32
    %dma_wait3A_35 = tpu.memref_slice %arg3[%dma_wait3A_33, %dma_wait3A_34] : memref<8192x128xf32, #tpu.memory_space<hbm>> -> memref<8192x128xf32, #tpu.memory_space<hbm>>
    tpu.wait_indirect_dma semaphore(%arg9 : memref<!tpu.dma_semaphore, #tpu.memory_space<semaphore_mem>>) src(%dma_wait3A_35 : memref<8192x128xf32, #tpu.memory_space<hbm>>) dst(%arg7 : memref<128x128xf32, #tpu.memory_space<vmem>>)
    %add3A_36 = arith.constant 128 : i32
    %add3A_37 = arith.addi %mul3A_2, %add3A_36 : i32
    %dma_start3A_38 = arith.constant 0 : i32
    %dma_start3A_39 = tpu.memref_slice %arg4[%add3A_37, %dma_start3A_38] : memref<32768x128xf32, #tpu.memory_space<hbm>> -> memref<128x128xf32, #tpu.memory_space<hbm>>
    %dma_start3A_40 = arith.constant 0 : i32
    %dma_start3A_41 = tpu.memref_slice %arg4[%add3A_37, %dma_start3A_40] : memref<32768x128xf32, #tpu.memory_space<hbm>> -> memref<128x128xf32, #tpu.memory_space<hbm>>
    tpu.enqueue_dma source(%arg7 : memref<128x128xf32, #tpu.memory_space<vmem>>) target(%dma_start3A_41 : memref<128x128xf32, #tpu.memory_space<hbm>>) target_semaphore(%arg11 : memref<!tpu.dma_semaphore, #tpu.memory_space<semaphore_mem>>)
    %dma_wait3A_42 = arith.constant 0 : i32
    %dma_wait3A_43 = tpu.memref_slice %arg4[%add3A_37, %dma_wait3A_42] : memref<32768x128xf32, #tpu.memory_space<hbm>> -> memref<128x128xf32, #tpu.memory_space<hbm>>
    %dma_wait3A_44 = arith.constant 0 : i32
    %dma_wait3A_45 = tpu.memref_slice %arg4[%add3A_37, %dma_wait3A_44] : memref<32768x128xf32, #tpu.memory_space<hbm>> -> memref<128x128xf32, #tpu.memory_space<hbm>>
    tpu.wait_dma2 semaphore(%arg11 : memref<!tpu.dma_semaphore, #tpu.memory_space<semaphore_mem>>) src(%arg7 : memref<128x128xf32, #tpu.memory_space<vmem>>) dst(%dma_wait3A_45 : memref<128x128xf32, #tpu.memory_space<hbm>>)
    %dma_start3A_46 = arith.constant 384 : i32
    %dma_start3A_47 = tpu.memref_slice %arg5[%dma_start3A_46] : memref<1024xi32, #tpu.memory_space<vmem>> -> memref<128xi32, #tpu.memory_space<vmem>>
    %dma_start3A_48 = arith.constant 0 : i32
    %dma_start3A_49 = arith.constant 0 : i32
    %dma_start3A_50 = tpu.memref_slice %arg3[%dma_start3A_48, %dma_start3A_49] : memref<8192x128xf32, #tpu.memory_space<hbm>> -> memref<8192x128xf32, #tpu.memory_space<hbm>>
    tpu.enqueue_indirect_dma source(%dma_start3A_50 : memref<8192x128xf32, #tpu.memory_space<hbm>>) target(%arg7 : memref<128x128xf32, #tpu.memory_space<vmem>>) offsets(%dma_start3A_47 : memref<128xi32, #tpu.memory_space<vmem>>) semaphore(%arg9 : memref<!tpu.dma_semaphore, #tpu.memory_space<semaphore_mem>>)
    %dma_wait3A_51 = arith.constant 256 : i32
    %dma_wait3A_52 = tpu.memref_slice %arg5[%dma_wait3A_51] : memref<1024xi32, #tpu.memory_space<vmem>> -> memref<128xi32, #tpu.memory_space<vmem>>
    %dma_wait3A_53 = arith.constant 0 : i32
    %dma_wait3A_54 = arith.constant 0 : i32
    %dma_wait3A_55 = tpu.memref_slice %arg3[%dma_wait3A_53, %dma_wait3A_54] : memref<8192x128xf32, #tpu.memory_space<hbm>> -> memref<8192x128xf32, #tpu.memory_space<hbm>>
    tpu.wait_indirect_dma semaphore(%arg8 : memref<!tpu.dma_semaphore, #tpu.memory_space<semaphore_mem>>) src(%dma_wait3A_55 : memref<8192x128xf32, #tpu.memory_space<hbm>>) dst(%arg6 : memref<128x128xf32, #tpu.memory_space<vmem>>)
    %add3A_56 = arith.constant 256 : i32
    %add3A_57 = arith.addi %mul3A_2, %add3A_56 : i32
    %dma_start3A_58 = arith.constant 0 : i32
    %dma_start3A_59 = tpu.memref_slice %arg4[%add3A_57, %dma_start3A_58] : memref<32768x128xf32, #tpu.memory_space<hbm>> -> memref<128x128xf32, #tpu.memory_space<hbm>>
    %dma_start3A_60 = arith.constant 0 : i32
    %dma_start3A_61 = tpu.memref_slice %arg4[%add3A_57, %dma_start3A_60] : memref<32768x128xf32, #tpu.memory_space<hbm>> -> memref<128x128xf32, #tpu.memory_space<hbm>>
    tpu.enqueue_dma source(%arg6 : memref<128x128xf32, #tpu.memory_space<vmem>>) target(%dma_start3A_61 : memref<128x128xf32, #tpu.memory_space<hbm>>) target_semaphore(%arg10 : memref<!tpu.dma_semaphore, #tpu.memory_space<semaphore_mem>>)
    %dma_wait3A_62 = arith.constant 0 : i32
    %dma_wait3A_63 = tpu.memref_slice %arg4[%add3A_57, %dma_wait3A_62] : memref<32768x128xf32, #tpu.memory_space<hbm>> -> memref<128x128xf32, #tpu.memory_space<hbm>>
    %dma_wait3A_64 = arith.constant 0 : i32
    %dma_wait3A_65 = tpu.memref_slice %arg4[%add3A_57, %dma_wait3A_64] : memref<32768x128xf32, #tpu.memory_space<hbm>> -> memref<128x128xf32, #tpu.memory_space<hbm>>
    tpu.wait_dma2 semaphore(%arg10 : memref<!tpu.dma_semaphore, #tpu.memory_space<semaphore_mem>>) src(%arg6 : memref<128x128xf32, #tpu.memory_space<vmem>>) dst(%dma_wait3A_65 : memref<128x128xf32, #tpu.memory_space<hbm>>)
    %dma_start3A_66 = arith.constant 512 : i32
    %dma_start3A_67 = tpu.memref_slice %arg5[%dma_start3A_66] : memref<1024xi32, #tpu.memory_space<vmem>> -> memref<128xi32, #tpu.memory_space<vmem>>
    %dma_start3A_68 = arith.constant 0 : i32
    %dma_start3A_69 = arith.constant 0 : i32
    %dma_start3A_70 = tpu.memref_slice %arg3[%dma_start3A_68, %dma_start3A_69] : memref<8192x128xf32, #tpu.memory_space<hbm>> -> memref<8192x128xf32, #tpu.memory_space<hbm>>
    tpu.enqueue_indirect_dma source(%dma_start3A_70 : memref<8192x128xf32, #tpu.memory_space<hbm>>) target(%arg6 : memref<128x128xf32, #tpu.memory_space<vmem>>) offsets(%dma_start3A_67 : memref<128xi32, #tpu.memory_space<vmem>>) semaphore(%arg8 : memref<!tpu.dma_semaphore, #tpu.memory_space<semaphore_mem>>)
    %dma_wait3A_71 = arith.constant 384 : i32
    %dma_wait3A_72 = tpu.memref_slice %arg5[%dma_wait3A_71] : memref<1024xi32, #tpu.memory_space<vmem>> -> memref<128xi32, #tpu.memory_space<vmem>>
    %dma_wait3A_73 = arith.constant 0 : i32
    %dma_wait3A_74 = arith.constant 0 : i32
    %dma_wait3A_75 = tpu.memref_slice %arg3[%dma_wait3A_73, %dma_wait3A_74] : memref<8192x128xf32, #tpu.memory_space<hbm>> -> memref<8192x128xf32, #tpu.memory_space<hbm>>
    tpu.wait_indirect_dma semaphore(%arg9 : memref<!tpu.dma_semaphore, #tpu.memory_space<semaphore_mem>>) src(%dma_wait3A_75 : memref<8192x128xf32, #tpu.memory_space<hbm>>) dst(%arg7 : memref<128x128xf32, #tpu.memory_space<vmem>>)
    %add3A_76 = arith.constant 384 : i32
    %add3A_77 = arith.addi %mul3A_2, %add3A_76 : i32
    %dma_start3A_78 = arith.constant 0 : i32
    %dma_start3A_79 = tpu.memref_slice %arg4[%add3A_77, %dma_start3A_78] : memref<32768x128xf32, #tpu.memory_space<hbm>> -> memref<128x128xf32, #tpu.memory_space<hbm>>
    %dma_start3A_80 = arith.constant 0 : i32
    %dma_start3A_81 = tpu.memref_slice %arg4[%add3A_77, %dma_start3A_80] : memref<32768x128xf32, #tpu.memory_space<hbm>> -> memref<128x128xf32, #tpu.memory_space<hbm>>
    tpu.enqueue_dma source(%arg7 : memref<128x128xf32, #tpu.memory_space<vmem>>) target(%dma_start3A_81 : memref<128x128xf32, #tpu.memory_space<hbm>>) target_semaphore(%arg11 : memref<!tpu.dma_semaphore, #tpu.memory_space<semaphore_mem>>)
    %dma_wait3A_82 = arith.constant 0 : i32
    %dma_wait3A_83 = tpu.memref_slice %arg4[%add3A_77, %dma_wait3A_82] : memref<32768x128xf32, #tpu.memory_space<hbm>> -> memref<128x128xf32, #tpu.memory_space<hbm>>
    %dma_wait3A_84 = arith.constant 0 : i32
    %dma_wait3A_85 = tpu.memref_slice %arg4[%add3A_77, %dma_wait3A_84] : memref<32768x128xf32, #tpu.memory_space<hbm>> -> memref<128x128xf32, #tpu.memory_space<hbm>>
    tpu.wait_dma2 semaphore(%arg11 : memref<!tpu.dma_semaphore, #tpu.memory_space<semaphore_mem>>) src(%arg7 : memref<128x128xf32, #tpu.memory_space<vmem>>) dst(%dma_wait3A_85 : memref<128x128xf32, #tpu.memory_space<hbm>>)
    %dma_start3A_86 = arith.constant 640 : i32
    %dma_start3A_87 = tpu.memref_slice %arg5[%dma_start3A_86] : memref<1024xi32, #tpu.memory_space<vmem>> -> memref<128xi32, #tpu.memory_space<vmem>>
    %dma_start3A_88 = arith.constant 0 : i32
    %dma_start3A_89 = arith.constant 0 : i32
    %dma_start3A_90 = tpu.memref_slice %arg3[%dma_start3A_88, %dma_start3A_89] : memref<8192x128xf32, #tpu.memory_space<hbm>> -> memref<8192x128xf32, #tpu.memory_space<hbm>>
    tpu.enqueue_indirect_dma source(%dma_start3A_90 : memref<8192x128xf32, #tpu.memory_space<hbm>>) target(%arg7 : memref<128x128xf32, #tpu.memory_space<vmem>>) offsets(%dma_start3A_87 : memref<128xi32, #tpu.memory_space<vmem>>) semaphore(%arg9 : memref<!tpu.dma_semaphore, #tpu.memory_space<semaphore_mem>>)
    %dma_wait3A_91 = arith.constant 512 : i32
    %dma_wait3A_92 = tpu.memref_slice %arg5[%dma_wait3A_91] : memref<1024xi32, #tpu.memory_space<vmem>> -> memref<128xi32, #tpu.memory_space<vmem>>
    %dma_wait3A_93 = arith.constant 0 : i32
    %dma_wait3A_94 = arith.constant 0 : i32
    %dma_wait3A_95 = tpu.memref_slice %arg3[%dma_wait3A_93, %dma_wait3A_94] : memref<8192x128xf32, #tpu.memory_space<hbm>> -> memref<8192x128xf32, #tpu.memory_space<hbm>>
    tpu.wait_indirect_dma semaphore(%arg8 : memref<!tpu.dma_semaphore, #tpu.memory_space<semaphore_mem>>) src(%dma_wait3A_95 : memref<8192x128xf32, #tpu.memory_space<hbm>>) dst(%arg6 : memref<128x128xf32, #tpu.memory_space<vmem>>)
    %add3A_96 = arith.constant 512 : i32
    %add3A_97 = arith.addi %mul3A_2, %add3A_96 : i32
    %dma_start3A_98 = arith.constant 0 : i32
    %dma_start3A_99 = tpu.memref_slice %arg4[%add3A_97, %dma_start3A_98] : memref<32768x128xf32, #tpu.memory_space<hbm>> -> memref<128x128xf32, #tpu.memory_space<hbm>>
    %dma_start3A_100 = arith.constant 0 : i32
    %dma_start3A_101 = tpu.memref_slice %arg4[%add3A_97, %dma_start3A_100] : memref<32768x128xf32, #tpu.memory_space<hbm>> -> memref<128x128xf32, #tpu.memory_space<hbm>>
    tpu.enqueue_dma source(%arg6 : memref<128x128xf32, #tpu.memory_space<vmem>>) target(%dma_start3A_101 : memref<128x128xf32, #tpu.memory_space<hbm>>) target_semaphore(%arg10 : memref<!tpu.dma_semaphore, #tpu.memory_space<semaphore_mem>>)
    %dma_wait3A_102 = arith.constant 0 : i32
    %dma_wait3A_103 = tpu.memref_slice %arg4[%add3A_97, %dma_wait3A_102] : memref<32768x128xf32, #tpu.memory_space<hbm>> -> memref<128x128xf32, #tpu.memory_space<hbm>>
    %dma_wait3A_104 = arith.constant 0 : i32
    %dma_wait3A_105 = tpu.memref_slice %arg4[%add3A_97, %dma_wait3A_104] : memref<32768x128xf32, #tpu.memory_space<hbm>> -> memref<128x128xf32, #tpu.memory_space<hbm>>
    tpu.wait_dma2 semaphore(%arg10 : memref<!tpu.dma_semaphore, #tpu.memory_space<semaphore_mem>>) src(%arg6 : memref<128x128xf32, #tpu.memory_space<vmem>>) dst(%dma_wait3A_105 : memref<128x128xf32, #tpu.memory_space<hbm>>)
    %dma_start3A_106 = arith.constant 768 : i32
    %dma_start3A_107 = tpu.memref_slice %arg5[%dma_start3A_106] : memref<1024xi32, #tpu.memory_space<vmem>> -> memref<128xi32, #tpu.memory_space<vmem>>
    %dma_start3A_108 = arith.constant 0 : i32
    %dma_start3A_109 = arith.constant 0 : i32
    %dma_start3A_110 = tpu.memref_slice %arg3[%dma_start3A_108, %dma_start3A_109] : memref<8192x128xf32, #tpu.memory_space<hbm>> -> memref<8192x128xf32, #tpu.memory_space<hbm>>
    tpu.enqueue_indirect_dma source(%dma_start3A_110 : memref<8192x128xf32, #tpu.memory_space<hbm>>) target(%arg6 : memref<128x128xf32, #tpu.memory_space<vmem>>) offsets(%dma_start3A_107 : memref<128xi32, #tpu.memory_space<vmem>>) semaphore(%arg8 : memref<!tpu.dma_semaphore, #tpu.memory_space<semaphore_mem>>)
    %dma_wait3A_111 = arith.constant 640 : i32
    %dma_wait3A_112 = tpu.memref_slice %arg5[%dma_wait3A_111] : memref<1024xi32, #tpu.memory_space<vmem>> -> memref<128xi32, #tpu.memory_space<vmem>>
    %dma_wait3A_113 = arith.constant 0 : i32
    %dma_wait3A_114 = arith.constant 0 : i32
    %dma_wait3A_115 = tpu.memref_slice %arg3[%dma_wait3A_113, %dma_wait3A_114] : memref<8192x128xf32, #tpu.memory_space<hbm>> -> memref<8192x128xf32, #tpu.memory_space<hbm>>
    tpu.wait_indirect_dma semaphore(%arg9 : memref<!tpu.dma_semaphore, #tpu.memory_space<semaphore_mem>>) src(%dma_wait3A_115 : memref<8192x128xf32, #tpu.memory_space<hbm>>) dst(%arg7 : memref<128x128xf32, #tpu.memory_space<vmem>>)
    %add3A_116 = arith.constant 640 : i32
    %add3A_117 = arith.addi %mul3A_2, %add3A_116 : i32
    %dma_start3A_118 = arith.constant 0 : i32
    %dma_start3A_119 = tpu.memref_slice %arg4[%add3A_117, %dma_start3A_118] : memref<32768x128xf32, #tpu.memory_space<hbm>> -> memref<128x128xf32, #tpu.memory_space<hbm>>
    %dma_start3A_120 = arith.constant 0 : i32
    %dma_start3A_121 = tpu.memref_slice %arg4[%add3A_117, %dma_start3A_120] : memref<32768x128xf32, #tpu.memory_space<hbm>> -> memref<128x128xf32, #tpu.memory_space<hbm>>
    tpu.enqueue_dma source(%arg7 : memref<128x128xf32, #tpu.memory_space<vmem>>) target(%dma_start3A_121 : memref<128x128xf32, #tpu.memory_space<hbm>>) target_semaphore(%arg11 : memref<!tpu.dma_semaphore, #tpu.memory_space<semaphore_mem>>)
    %dma_wait3A_122 = arith.constant 0 : i32
    %dma_wait3A_123 = tpu.memref_slice %arg4[%add3A_117, %dma_wait3A_122] : memref<32768x128xf32, #tpu.memory_space<hbm>> -> memref<128x128xf32, #tpu.memory_space<hbm>>
    %dma_wait3A_124 = arith.constant 0 : i32
    %dma_wait3A_125 = tpu.memref_slice %arg4[%add3A_117, %dma_wait3A_124] : memref<32768x128xf32, #tpu.memory_space<hbm>> -> memref<128x128xf32, #tpu.memory_space<hbm>>
    tpu.wait_dma2 semaphore(%arg11 : memref<!tpu.dma_semaphore, #tpu.memory_space<semaphore_mem>>) src(%arg7 : memref<128x128xf32, #tpu.memory_space<vmem>>) dst(%dma_wait3A_125 : memref<128x128xf32, #tpu.memory_space<hbm>>)
    %dma_start3A_126 = arith.constant 896 : i32
    %dma_start3A_127 = tpu.memref_slice %arg5[%dma_start3A_126] : memref<1024xi32, #tpu.memory_space<vmem>> -> memref<128xi32, #tpu.memory_space<vmem>>
    %dma_start3A_128 = arith.constant 0 : i32
    %dma_start3A_129 = arith.constant 0 : i32
    %dma_start3A_130 = tpu.memref_slice %arg3[%dma_start3A_128, %dma_start3A_129] : memref<8192x128xf32, #tpu.memory_space<hbm>> -> memref<8192x128xf32, #tpu.memory_space<hbm>>
    tpu.enqueue_indirect_dma source(%dma_start3A_130 : memref<8192x128xf32, #tpu.memory_space<hbm>>) target(%arg7 : memref<128x128xf32, #tpu.memory_space<vmem>>) offsets(%dma_start3A_127 : memref<128xi32, #tpu.memory_space<vmem>>) semaphore(%arg9 : memref<!tpu.dma_semaphore, #tpu.memory_space<semaphore_mem>>)
    %dma_wait3A_131 = arith.constant 768 : i32
    %dma_wait3A_132 = tpu.memref_slice %arg5[%dma_wait3A_131] : memref<1024xi32, #tpu.memory_space<vmem>> -> memref<128xi32, #tpu.memory_space<vmem>>
    %dma_wait3A_133 = arith.constant 0 : i32
    %dma_wait3A_134 = arith.constant 0 : i32
    %dma_wait3A_135 = tpu.memref_slice %arg3[%dma_wait3A_133, %dma_wait3A_134] : memref<8192x128xf32, #tpu.memory_space<hbm>> -> memref<8192x128xf32, #tpu.memory_space<hbm>>
    tpu.wait_indirect_dma semaphore(%arg8 : memref<!tpu.dma_semaphore, #tpu.memory_space<semaphore_mem>>) src(%dma_wait3A_135 : memref<8192x128xf32, #tpu.memory_space<hbm>>) dst(%arg6 : memref<128x128xf32, #tpu.memory_space<vmem>>)
    %add3A_136 = arith.constant 768 : i32
    %add3A_137 = arith.addi %mul3A_2, %add3A_136 : i32
    %dma_start3A_138 = arith.constant 0 : i32
    %dma_start3A_139 = tpu.memref_slice %arg4[%add3A_137, %dma_start3A_138] : memref<32768x128xf32, #tpu.memory_space<hbm>> -> memref<128x128xf32, #tpu.memory_space<hbm>>
    %dma_start3A_140 = arith.constant 0 : i32
    %dma_start3A_141 = tpu.memref_slice %arg4[%add3A_137, %dma_start3A_140] : memref<32768x128xf32, #tpu.memory_space<hbm>> -> memref<128x128xf32, #tpu.memory_space<hbm>>
    tpu.enqueue_dma source(%arg6 : memref<128x128xf32, #tpu.memory_space<vmem>>) target(%dma_start3A_141 : memref<128x128xf32, #tpu.memory_space<hbm>>) target_semaphore(%arg10 : memref<!tpu.dma_semaphore, #tpu.memory_space<semaphore_mem>>)
    %dma_wait3A_142 = arith.constant 896 : i32
    %dma_wait3A_143 = tpu.memref_slice %arg5[%dma_wait3A_142] : memref<1024xi32, #tpu.memory_space<vmem>> -> memref<128xi32, #tpu.memory_space<vmem>>
    %dma_wait3A_144 = arith.constant 0 : i32
    %dma_wait3A_145 = arith.constant 0 : i32
    %dma_wait3A_146 = tpu.memref_slice %arg3[%dma_wait3A_144, %dma_wait3A_145] : memref<8192x128xf32, #tpu.memory_space<hbm>> -> memref<8192x128xf32, #tpu.memory_space<hbm>>
    tpu.wait_indirect_dma semaphore(%arg9 : memref<!tpu.dma_semaphore, #tpu.memory_space<semaphore_mem>>) src(%dma_wait3A_146 : memref<8192x128xf32, #tpu.memory_space<hbm>>) dst(%arg7 : memref<128x128xf32, #tpu.memory_space<vmem>>)
    %add3A_147 = arith.constant 896 : i32
    %add3A_148 = arith.addi %mul3A_2, %add3A_147 : i32
    %dma_start3A_149 = arith.constant 0 : i32
    %dma_start3A_150 = tpu.memref_slice %arg4[%add3A_148, %dma_start3A_149] : memref<32768x128xf32, #tpu.memory_space<hbm>> -> memref<128x128xf32, #tpu.memory_space<hbm>>
    %dma_start3A_151 = arith.constant 0 : i32
    %dma_start3A_152 = tpu.memref_slice %arg4[%add3A_148, %dma_start3A_151] : memref<32768x128xf32, #tpu.memory_space<hbm>> -> memref<128x128xf32, #tpu.memory_space<hbm>>
    tpu.enqueue_dma source(%arg7 : memref<128x128xf32, #tpu.memory_space<vmem>>) target(%dma_start3A_152 : memref<128x128xf32, #tpu.memory_space<hbm>>) target_semaphore(%arg11 : memref<!tpu.dma_semaphore, #tpu.memory_space<semaphore_mem>>)
    %dma_wait3A_153 = arith.constant 0 : i32
    %dma_wait3A_154 = tpu.memref_slice %arg4[%add3A_137, %dma_wait3A_153] : memref<32768x128xf32, #tpu.memory_space<hbm>> -> memref<128x128xf32, #tpu.memory_space<hbm>>
    %dma_wait3A_155 = arith.constant 0 : i32
    %dma_wait3A_156 = tpu.memref_slice %arg4[%add3A_137, %dma_wait3A_155] : memref<32768x128xf32, #tpu.memory_space<hbm>> -> memref<128x128xf32, #tpu.memory_space<hbm>>
    tpu.wait_dma2 semaphore(%arg10 : memref<!tpu.dma_semaphore, #tpu.memory_space<semaphore_mem>>) src(%arg6 : memref<128x128xf32, #tpu.memory_space<vmem>>) dst(%dma_wait3A_156 : memref<128x128xf32, #tpu.memory_space<hbm>>)
    %dma_wait3A_157 = arith.constant 0 : i32
    %dma_wait3A_158 = tpu.memref_slice %arg4[%add3A_148, %dma_wait3A_157] : memref<32768x128xf32, #tpu.memory_space<hbm>> -> memref<128x128xf32, #tpu.memory_space<hbm>>
    %dma_wait3A_159 = arith.constant 0 : i32
    %dma_wait3A_160 = tpu.memref_slice %arg4[%add3A_148, %dma_wait3A_159] : memref<32768x128xf32, #tpu.memory_space<hbm>> -> memref<128x128xf32, #tpu.memory_space<hbm>>
    tpu.wait_dma2 semaphore(%arg11 : memref<!tpu.dma_semaphore, #tpu.memory_space<semaphore_mem>>) src(%arg7 : memref<128x128xf32, #tpu.memory_space<vmem>>) dst(%dma_wait3A_160 : memref<128x128xf32, #tpu.memory_space<hbm>>)
    return
  }
}

#map = affine_map<(d0, d1) -> (0)>
#map1 = affine_map<(d0, d1) -> (0, 0)>
module attributes {stable_mosaic.version = 14 : i64} {
  func.func @gk(%arg0: i32, %arg1: i32, %arg2: memref<32768xi32, #tpu.memory_space<hbm>>, %arg3: memref<8192x128xf32, #tpu.memory_space<hbm>>, %arg4: memref<32768x128xf32, #tpu.memory_space<hbm>>, %arg5: memref<1024xi32, #tpu.memory_space<vmem>>, %arg6: memref<128x128xf32, #tpu.memory_space<vmem>>, %arg7: memref<128x128xf32, #tpu.memory_space<vmem>>, %arg8: memref<!tpu.dma_semaphore, #tpu.memory_space<semaphore_mem>>, %arg9: memref<!tpu.dma_semaphore, #tpu.memory_space<semaphore_mem>>, %arg10: memref<!tpu.dma_semaphore, #tpu.memory_space<semaphore_mem>>, %arg11: memref<!tpu.dma_semaphore, #tpu.memory_space<semaphore_mem>>) attributes {dimension_semantics = [#tpu.dimension_semantics<core_parallel>, #tpu.dimension_semantics<subcore_parallel>], iteration_bounds = array<i64: 2, 16>, scalar_prefetch = 0 : i64, scratch_operands = 7 : i64, tpu.core_type = #tpu.core_type<sc_vector_subcore>, window_params = [{transform_indices = #map}, {transform_indices = #map1}, {transform_indices = #map1}]} {
    %mul3A = arith.constant 2 : i32
    %mul3A_0 = arith.muli %arg1, %mul3A : i32
    %add3A = arith.addi %mul3A_0, %arg0 : i32
    %mul3A_1 = arith.constant 1024 : i32
    %mul3A_2 = arith.muli %add3A, %mul3A_1 : i32
    "tpu.region"() ({
      %run_scoped3A = tpu.sem_alloc : memref<!tpu.dma_semaphore, #tpu.memory_space<semaphore_mem>>
      %dma_start3A_161 = tpu.memref_slice %arg2[%mul3A_2] : memref<32768xi32, #tpu.memory_space<hbm>> -> memref<1024xi32, #tpu.memory_space<hbm>>
      %dma_start3A_162 = tpu.memref_slice %arg2[%mul3A_2] : memref<32768xi32, #tpu.memory_space<hbm>> -> memref<1024xi32, #tpu.memory_space<hbm>>
      tpu.enqueue_dma source(%dma_start3A_162 : memref<1024xi32, #tpu.memory_space<hbm>>) target(%arg5 : memref<1024xi32, #tpu.memory_space<vmem>>) target_semaphore(%run_scoped3A : memref<!tpu.dma_semaphore, #tpu.memory_space<semaphore_mem>>)
      %dma_wait3A_163 = tpu.memref_slice %arg2[%mul3A_2] : memref<32768xi32, #tpu.memory_space<hbm>> -> memref<1024xi32, #tpu.memory_space<hbm>>
      %dma_wait3A_164 = tpu.memref_slice %arg2[%mul3A_2] : memref<32768xi32, #tpu.memory_space<hbm>> -> memref<1024xi32, #tpu.memory_space<hbm>>
      tpu.wait_dma2 semaphore(%run_scoped3A : memref<!tpu.dma_semaphore, #tpu.memory_space<semaphore_mem>>) src(%dma_wait3A_164 : memref<1024xi32, #tpu.memory_space<hbm>>) dst(%arg5 : memref<1024xi32, #tpu.memory_space<vmem>>)
      tpu.yield
    }) : () -> ()
    %dma_start3A = arith.constant 0 : i32
    %dma_start3A_3 = tpu.memref_slice %arg5[%dma_start3A] : memref<1024xi32, #tpu.memory_space<vmem>> -> memref<128xi32, #tpu.memory_space<vmem>>
    %dma_start3A_4 = arith.constant 0 : i32
    %dma_start3A_5 = arith.constant 0 : i32
    %dma_start3A_6 = tpu.memref_slice %arg3[%dma_start3A_4, %dma_start3A_5] : memref<8192x128xf32, #tpu.memory_space<hbm>> -> memref<8192x128xf32, #tpu.memory_space<hbm>>
    tpu.enqueue_indirect_dma source(%dma_start3A_6 : memref<8192x128xf32, #tpu.memory_space<hbm>>) target(%arg6 : memref<128x128xf32, #tpu.memory_space<vmem>>) offsets(%dma_start3A_3 : memref<128xi32, #tpu.memory_space<vmem>>) semaphore(%arg8 : memref<!tpu.dma_semaphore, #tpu.memory_space<semaphore_mem>>)
    %dma_start3A_7 = arith.constant 128 : i32
    %dma_start3A_8 = tpu.memref_slice %arg5[%dma_start3A_7] : memref<1024xi32, #tpu.memory_space<vmem>> -> memref<128xi32, #tpu.memory_space<vmem>>
    %dma_start3A_9 = arith.constant 0 : i32
    %dma_start3A_10 = arith.constant 0 : i32
    %dma_start3A_11 = tpu.memref_slice %arg3[%dma_start3A_9, %dma_start3A_10] : memref<8192x128xf32, #tpu.memory_space<hbm>> -> memref<8192x128xf32, #tpu.memory_space<hbm>>
    tpu.enqueue_indirect_dma source(%dma_start3A_11 : memref<8192x128xf32, #tpu.memory_space<hbm>>) target(%arg7 : memref<128x128xf32, #tpu.memory_space<vmem>>) offsets(%dma_start3A_8 : memref<128xi32, #tpu.memory_space<vmem>>) semaphore(%arg9 : memref<!tpu.dma_semaphore, #tpu.memory_space<semaphore_mem>>)
    %dma_wait3A = arith.constant 0 : i32
    %dma_wait3A_12 = tpu.memref_slice %arg5[%dma_wait3A] : memref<1024xi32, #tpu.memory_space<vmem>> -> memref<128xi32, #tpu.memory_space<vmem>>
    %dma_wait3A_13 = arith.constant 0 : i32
    %dma_wait3A_14 = arith.constant 0 : i32
    %dma_wait3A_15 = tpu.memref_slice %arg3[%dma_wait3A_13, %dma_wait3A_14] : memref<8192x128xf32, #tpu.memory_space<hbm>> -> memref<8192x128xf32, #tpu.memory_space<hbm>>
    tpu.wait_indirect_dma semaphore(%arg8 : memref<!tpu.dma_semaphore, #tpu.memory_space<semaphore_mem>>) src(%dma_wait3A_15 : memref<8192x128xf32, #tpu.memory_space<hbm>>) dst(%arg6 : memref<128x128xf32, #tpu.memory_space<vmem>>)
    %add3A_16 = arith.constant 0 : i32
    %add3A_17 = arith.addi %mul3A_2, %add3A_16 : i32
    %dma_start3A_18 = arith.constant 0 : i32
    %dma_start3A_19 = tpu.memref_slice %arg4[%add3A_17, %dma_start3A_18] : memref<32768x128xf32, #tpu.memory_space<hbm>> -> memref<128x128xf32, #tpu.memory_space<hbm>>
    %dma_start3A_20 = arith.constant 0 : i32
    %dma_start3A_21 = tpu.memref_slice %arg4[%add3A_17, %dma_start3A_20] : memref<32768x128xf32, #tpu.memory_space<hbm>> -> memref<128x128xf32, #tpu.memory_space<hbm>>
    tpu.enqueue_dma source(%arg6 : memref<128x128xf32, #tpu.memory_space<vmem>>) target(%dma_start3A_21 : memref<128x128xf32, #tpu.memory_space<hbm>>) target_semaphore(%arg10 : memref<!tpu.dma_semaphore, #tpu.memory_space<semaphore_mem>>)
    %dma_wait3A_22 = arith.constant 0 : i32
    %dma_wait3A_23 = tpu.memref_slice %arg4[%add3A_17, %dma_wait3A_22] : memref<32768x128xf32, #tpu.memory_space<hbm>> -> memref<128x128xf32, #tpu.memory_space<hbm>>
    %dma_wait3A_24 = arith.constant 0 : i32
    %dma_wait3A_25 = tpu.memref_slice %arg4[%add3A_17, %dma_wait3A_24] : memref<32768x128xf32, #tpu.memory_space<hbm>> -> memref<128x128xf32, #tpu.memory_space<hbm>>
    tpu.wait_dma2 semaphore(%arg10 : memref<!tpu.dma_semaphore, #tpu.memory_space<semaphore_mem>>) src(%arg6 : memref<128x128xf32, #tpu.memory_space<vmem>>) dst(%dma_wait3A_25 : memref<128x128xf32, #tpu.memory_space<hbm>>)
    %dma_start3A_26 = arith.constant 256 : i32
    %dma_start3A_27 = tpu.memref_slice %arg5[%dma_start3A_26] : memref<1024xi32, #tpu.memory_space<vmem>> -> memref<128xi32, #tpu.memory_space<vmem>>
    %dma_start3A_28 = arith.constant 0 : i32
    %dma_start3A_29 = arith.constant 0 : i32
    %dma_start3A_30 = tpu.memref_slice %arg3[%dma_start3A_28, %dma_start3A_29] : memref<8192x128xf32, #tpu.memory_space<hbm>> -> memref<8192x128xf32, #tpu.memory_space<hbm>>
    tpu.enqueue_indirect_dma source(%dma_start3A_30 : memref<8192x128xf32, #tpu.memory_space<hbm>>) target(%arg6 : memref<128x128xf32, #tpu.memory_space<vmem>>) offsets(%dma_start3A_27 : memref<128xi32, #tpu.memory_space<vmem>>) semaphore(%arg8 : memref<!tpu.dma_semaphore, #tpu.memory_space<semaphore_mem>>)
    %dma_wait3A_31 = arith.constant 128 : i32
    %dma_wait3A_32 = tpu.memref_slice %arg5[%dma_wait3A_31] : memref<1024xi32, #tpu.memory_space<vmem>> -> memref<128xi32, #tpu.memory_space<vmem>>
    %dma_wait3A_33 = arith.constant 0 : i32
    %dma_wait3A_34 = arith.constant 0 : i32
    %dma_wait3A_35 = tpu.memref_slice %arg3[%dma_wait3A_33, %dma_wait3A_34] : memref<8192x128xf32, #tpu.memory_space<hbm>> -> memref<8192x128xf32, #tpu.memory_space<hbm>>
    tpu.wait_indirect_dma semaphore(%arg9 : memref<!tpu.dma_semaphore, #tpu.memory_space<semaphore_mem>>) src(%dma_wait3A_35 : memref<8192x128xf32, #tpu.memory_space<hbm>>) dst(%arg7 : memref<128x128xf32, #tpu.memory_space<vmem>>)
    %add3A_36 = arith.constant 128 : i32
    %add3A_37 = arith.addi %mul3A_2, %add3A_36 : i32
    %dma_start3A_38 = arith.constant 0 : i32
    %dma_start3A_39 = tpu.memref_slice %arg4[%add3A_37, %dma_start3A_38] : memref<32768x128xf32, #tpu.memory_space<hbm>> -> memref<128x128xf32, #tpu.memory_space<hbm>>
    %dma_start3A_40 = arith.constant 0 : i32
    %dma_start3A_41 = tpu.memref_slice %arg4[%add3A_37, %dma_start3A_40] : memref<32768x128xf32, #tpu.memory_space<hbm>> -> memref<128x128xf32, #tpu.memory_space<hbm>>
    tpu.enqueue_dma source(%arg7 : memref<128x128xf32, #tpu.memory_space<vmem>>) target(%dma_start3A_41 : memref<128x128xf32, #tpu.memory_space<hbm>>) target_semaphore(%arg11 : memref<!tpu.dma_semaphore, #tpu.memory_space<semaphore_mem>>)
    %dma_wait3A_42 = arith.constant 0 : i32
    %dma_wait3A_43 = tpu.memref_slice %arg4[%add3A_37, %dma_wait3A_42] : memref<32768x128xf32, #tpu.memory_space<hbm>> -> memref<128x128xf32, #tpu.memory_space<hbm>>
    %dma_wait3A_44 = arith.constant 0 : i32
    %dma_wait3A_45 = tpu.memref_slice %arg4[%add3A_37, %dma_wait3A_44] : memref<32768x128xf32, #tpu.memory_space<hbm>> -> memref<128x128xf32, #tpu.memory_space<hbm>>
    tpu.wait_dma2 semaphore(%arg11 : memref<!tpu.dma_semaphore, #tpu.memory_space<semaphore_mem>>) src(%arg7 : memref<128x128xf32, #tpu.memory_space<vmem>>) dst(%dma_wait3A_45 : memref<128x128xf32, #tpu.memory_space<hbm>>)
    %dma_start3A_46 = arith.constant 384 : i32
    %dma_start3A_47 = tpu.memref_slice %arg5[%dma_start3A_46] : memref<1024xi32, #tpu.memory_space<vmem>> -> memref<128xi32, #tpu.memory_space<vmem>>
    %dma_start3A_48 = arith.constant 0 : i32
    %dma_start3A_49 = arith.constant 0 : i32
    %dma_start3A_50 = tpu.memref_slice %arg3[%dma_start3A_48, %dma_start3A_49] : memref<8192x128xf32, #tpu.memory_space<hbm>> -> memref<8192x128xf32, #tpu.memory_space<hbm>>
    tpu.enqueue_indirect_dma source(%dma_start3A_50 : memref<8192x128xf32, #tpu.memory_space<hbm>>) target(%arg7 : memref<128x128xf32, #tpu.memory_space<vmem>>) offsets(%dma_start3A_47 : memref<128xi32, #tpu.memory_space<vmem>>) semaphore(%arg9 : memref<!tpu.dma_semaphore, #tpu.memory_space<semaphore_mem>>)
    %dma_wait3A_51 = arith.constant 256 : i32
    %dma_wait3A_52 = tpu.memref_slice %arg5[%dma_wait3A_51] : memref<1024xi32, #tpu.memory_space<vmem>> -> memref<128xi32, #tpu.memory_space<vmem>>
    %dma_wait3A_53 = arith.constant 0 : i32
    %dma_wait3A_54 = arith.constant 0 : i32
    %dma_wait3A_55 = tpu.memref_slice %arg3[%dma_wait3A_53, %dma_wait3A_54] : memref<8192x128xf32, #tpu.memory_space<hbm>> -> memref<8192x128xf32, #tpu.memory_space<hbm>>
    tpu.wait_indirect_dma semaphore(%arg8 : memref<!tpu.dma_semaphore, #tpu.memory_space<semaphore_mem>>) src(%dma_wait3A_55 : memref<8192x128xf32, #tpu.memory_space<hbm>>) dst(%arg6 : memref<128x128xf32, #tpu.memory_space<vmem>>)
    %add3A_56 = arith.constant 256 : i32
    %add3A_57 = arith.addi %mul3A_2, %add3A_56 : i32
    %dma_start3A_58 = arith.constant 0 : i32
    %dma_start3A_59 = tpu.memref_slice %arg4[%add3A_57, %dma_start3A_58] : memref<32768x128xf32, #tpu.memory_space<hbm>> -> memref<128x128xf32, #tpu.memory_space<hbm>>
    %dma_start3A_60 = arith.constant 0 : i32
    %dma_start3A_61 = tpu.memref_slice %arg4[%add3A_57, %dma_start3A_60] : memref<32768x128xf32, #tpu.memory_space<hbm>> -> memref<128x128xf32, #tpu.memory_space<hbm>>
    tpu.enqueue_dma source(%arg6 : memref<128x128xf32, #tpu.memory_space<vmem>>) target(%dma_start3A_61 : memref<128x128xf32, #tpu.memory_space<hbm>>) target_semaphore(%arg10 : memref<!tpu.dma_semaphore, #tpu.memory_space<semaphore_mem>>)
    %dma_wait3A_62 = arith.constant 0 : i32
    %dma_wait3A_63 = tpu.memref_slice %arg4[%add3A_57, %dma_wait3A_62] : memref<32768x128xf32, #tpu.memory_space<hbm>> -> memref<128x128xf32, #tpu.memory_space<hbm>>
    %dma_wait3A_64 = arith.constant 0 : i32
    %dma_wait3A_65 = tpu.memref_slice %arg4[%add3A_57, %dma_wait3A_64] : memref<32768x128xf32, #tpu.memory_space<hbm>> -> memref<128x128xf32, #tpu.memory_space<hbm>>
    tpu.wait_dma2 semaphore(%arg10 : memref<!tpu.dma_semaphore, #tpu.memory_space<semaphore_mem>>) src(%arg6 : memref<128x128xf32, #tpu.memory_space<vmem>>) dst(%dma_wait3A_65 : memref<128x128xf32, #tpu.memory_space<hbm>>)
    %dma_start3A_66 = arith.constant 512 : i32
    %dma_start3A_67 = tpu.memref_slice %arg5[%dma_start3A_66] : memref<1024xi32, #tpu.memory_space<vmem>> -> memref<128xi32, #tpu.memory_space<vmem>>
    %dma_start3A_68 = arith.constant 0 : i32
    %dma_start3A_69 = arith.constant 0 : i32
    %dma_start3A_70 = tpu.memref_slice %arg3[%dma_start3A_68, %dma_start3A_69] : memref<8192x128xf32, #tpu.memory_space<hbm>> -> memref<8192x128xf32, #tpu.memory_space<hbm>>
    tpu.enqueue_indirect_dma source(%dma_start3A_70 : memref<8192x128xf32, #tpu.memory_space<hbm>>) target(%arg6 : memref<128x128xf32, #tpu.memory_space<vmem>>) offsets(%dma_start3A_67 : memref<128xi32, #tpu.memory_space<vmem>>) semaphore(%arg8 : memref<!tpu.dma_semaphore, #tpu.memory_space<semaphore_mem>>)
    %dma_wait3A_71 = arith.constant 384 : i32
    %dma_wait3A_72 = tpu.memref_slice %arg5[%dma_wait3A_71] : memref<1024xi32, #tpu.memory_space<vmem>> -> memref<128xi32, #tpu.memory_space<vmem>>
    %dma_wait3A_73 = arith.constant 0 : i32
    %dma_wait3A_74 = arith.constant 0 : i32
    %dma_wait3A_75 = tpu.memref_slice %arg3[%dma_wait3A_73, %dma_wait3A_74] : memref<8192x128xf32, #tpu.memory_space<hbm>> -> memref<8192x128xf32, #tpu.memory_space<hbm>>
    tpu.wait_indirect_dma semaphore(%arg9 : memref<!tpu.dma_semaphore, #tpu.memory_space<semaphore_mem>>) src(%dma_wait3A_75 : memref<8192x128xf32, #tpu.memory_space<hbm>>) dst(%arg7 : memref<128x128xf32, #tpu.memory_space<vmem>>)
    %add3A_76 = arith.constant 384 : i32
    %add3A_77 = arith.addi %mul3A_2, %add3A_76 : i32
    %dma_start3A_78 = arith.constant 0 : i32
    %dma_start3A_79 = tpu.memref_slice %arg4[%add3A_77, %dma_start3A_78] : memref<32768x128xf32, #tpu.memory_space<hbm>> -> memref<128x128xf32, #tpu.memory_space<hbm>>
    %dma_start3A_80 = arith.constant 0 : i32
    %dma_start3A_81 = tpu.memref_slice %arg4[%add3A_77, %dma_start3A_80] : memref<32768x128xf32, #tpu.memory_space<hbm>> -> memref<128x128xf32, #tpu.memory_space<hbm>>
    tpu.enqueue_dma source(%arg7 : memref<128x128xf32, #tpu.memory_space<vmem>>) target(%dma_start3A_81 : memref<128x128xf32, #tpu.memory_space<hbm>>) target_semaphore(%arg11 : memref<!tpu.dma_semaphore, #tpu.memory_space<semaphore_mem>>)
    %dma_wait3A_82 = arith.constant 0 : i32
    %dma_wait3A_83 = tpu.memref_slice %arg4[%add3A_77, %dma_wait3A_82] : memref<32768x128xf32, #tpu.memory_space<hbm>> -> memref<128x128xf32, #tpu.memory_space<hbm>>
    %dma_wait3A_84 = arith.constant 0 : i32
    %dma_wait3A_85 = tpu.memref_slice %arg4[%add3A_77, %dma_wait3A_84] : memref<32768x128xf32, #tpu.memory_space<hbm>> -> memref<128x128xf32, #tpu.memory_space<hbm>>
    tpu.wait_dma2 semaphore(%arg11 : memref<!tpu.dma_semaphore, #tpu.memory_space<semaphore_mem>>) src(%arg7 : memref<128x128xf32, #tpu.memory_space<vmem>>) dst(%dma_wait3A_85 : memref<128x128xf32, #tpu.memory_space<hbm>>)
    %dma_start3A_86 = arith.constant 640 : i32
    %dma_start3A_87 = tpu.memref_slice %arg5[%dma_start3A_86] : memref<1024xi32, #tpu.memory_space<vmem>> -> memref<128xi32, #tpu.memory_space<vmem>>
    %dma_start3A_88 = arith.constant 0 : i32
    %dma_start3A_89 = arith.constant 0 : i32
    %dma_start3A_90 = tpu.memref_slice %arg3[%dma_start3A_88, %dma_start3A_89] : memref<8192x128xf32, #tpu.memory_space<hbm>> -> memref<8192x128xf32, #tpu.memory_space<hbm>>
    tpu.enqueue_indirect_dma source(%dma_start3A_90 : memref<8192x128xf32, #tpu.memory_space<hbm>>) target(%arg7 : memref<128x128xf32, #tpu.memory_space<vmem>>) offsets(%dma_start3A_87 : memref<128xi32, #tpu.memory_space<vmem>>) semaphore(%arg9 : memref<!tpu.dma_semaphore, #tpu.memory_space<semaphore_mem>>)
    %dma_wait3A_91 = arith.constant 512 : i32
    %dma_wait3A_92 = tpu.memref_slice %arg5[%dma_wait3A_91] : memref<1024xi32, #tpu.memory_space<vmem>> -> memref<128xi32, #tpu.memory_space<vmem>>
    %dma_wait3A_93 = arith.constant 0 : i32
    %dma_wait3A_94 = arith.constant 0 : i32
    %dma_wait3A_95 = tpu.memref_slice %arg3[%dma_wait3A_93, %dma_wait3A_94] : memref<8192x128xf32, #tpu.memory_space<hbm>> -> memref<8192x128xf32, #tpu.memory_space<hbm>>
    tpu.wait_indirect_dma semaphore(%arg8 : memref<!tpu.dma_semaphore, #tpu.memory_space<semaphore_mem>>) src(%dma_wait3A_95 : memref<8192x128xf32, #tpu.memory_space<hbm>>) dst(%arg6 : memref<128x128xf32, #tpu.memory_space<vmem>>)
    %add3A_96 = arith.constant 512 : i32
    %add3A_97 = arith.addi %mul3A_2, %add3A_96 : i32
    %dma_start3A_98 = arith.constant 0 : i32
    %dma_start3A_99 = tpu.memref_slice %arg4[%add3A_97, %dma_start3A_98] : memref<32768x128xf32, #tpu.memory_space<hbm>> -> memref<128x128xf32, #tpu.memory_space<hbm>>
    %dma_start3A_100 = arith.constant 0 : i32
    %dma_start3A_101 = tpu.memref_slice %arg4[%add3A_97, %dma_start3A_100] : memref<32768x128xf32, #tpu.memory_space<hbm>> -> memref<128x128xf32, #tpu.memory_space<hbm>>
    tpu.enqueue_dma source(%arg6 : memref<128x128xf32, #tpu.memory_space<vmem>>) target(%dma_start3A_101 : memref<128x128xf32, #tpu.memory_space<hbm>>) target_semaphore(%arg10 : memref<!tpu.dma_semaphore, #tpu.memory_space<semaphore_mem>>)
    %dma_wait3A_102 = arith.constant 0 : i32
    %dma_wait3A_103 = tpu.memref_slice %arg4[%add3A_97, %dma_wait3A_102] : memref<32768x128xf32, #tpu.memory_space<hbm>> -> memref<128x128xf32, #tpu.memory_space<hbm>>
    %dma_wait3A_104 = arith.constant 0 : i32
    %dma_wait3A_105 = tpu.memref_slice %arg4[%add3A_97, %dma_wait3A_104] : memref<32768x128xf32, #tpu.memory_space<hbm>> -> memref<128x128xf32, #tpu.memory_space<hbm>>
    tpu.wait_dma2 semaphore(%arg10 : memref<!tpu.dma_semaphore, #tpu.memory_space<semaphore_mem>>) src(%arg6 : memref<128x128xf32, #tpu.memory_space<vmem>>) dst(%dma_wait3A_105 : memref<128x128xf32, #tpu.memory_space<hbm>>)
    %dma_start3A_106 = arith.constant 768 : i32
    %dma_start3A_107 = tpu.memref_slice %arg5[%dma_start3A_106] : memref<1024xi32, #tpu.memory_space<vmem>> -> memref<128xi32, #tpu.memory_space<vmem>>
    %dma_start3A_108 = arith.constant 0 : i32
    %dma_start3A_109 = arith.constant 0 : i32
    %dma_start3A_110 = tpu.memref_slice %arg3[%dma_start3A_108, %dma_start3A_109] : memref<8192x128xf32, #tpu.memory_space<hbm>> -> memref<8192x128xf32, #tpu.memory_space<hbm>>
    tpu.enqueue_indirect_dma source(%dma_start3A_110 : memref<8192x128xf32, #tpu.memory_space<hbm>>) target(%arg6 : memref<128x128xf32, #tpu.memory_space<vmem>>) offsets(%dma_start3A_107 : memref<128xi32, #tpu.memory_space<vmem>>) semaphore(%arg8 : memref<!tpu.dma_semaphore, #tpu.memory_space<semaphore_mem>>)
    %dma_wait3A_111 = arith.constant 640 : i32
    %dma_wait3A_112 = tpu.memref_slice %arg5[%dma_wait3A_111] : memref<1024xi32, #tpu.memory_space<vmem>> -> memref<128xi32, #tpu.memory_space<vmem>>
    %dma_wait3A_113 = arith.constant 0 : i32
    %dma_wait3A_114 = arith.constant 0 : i32
    %dma_wait3A_115 = tpu.memref_slice %arg3[%dma_wait3A_113, %dma_wait3A_114] : memref<8192x128xf32, #tpu.memory_space<hbm>> -> memref<8192x128xf32, #tpu.memory_space<hbm>>
    tpu.wait_indirect_dma semaphore(%arg9 : memref<!tpu.dma_semaphore, #tpu.memory_space<semaphore_mem>>) src(%dma_wait3A_115 : memref<8192x128xf32, #tpu.memory_space<hbm>>) dst(%arg7 : memref<128x128xf32, #tpu.memory_space<vmem>>)
    %add3A_116 = arith.constant 640 : i32
    %add3A_117 = arith.addi %mul3A_2, %add3A_116 : i32
    %dma_start3A_118 = arith.constant 0 : i32
    %dma_start3A_119 = tpu.memref_slice %arg4[%add3A_117, %dma_start3A_118] : memref<32768x128xf32, #tpu.memory_space<hbm>> -> memref<128x128xf32, #tpu.memory_space<hbm>>
    %dma_start3A_120 = arith.constant 0 : i32
    %dma_start3A_121 = tpu.memref_slice %arg4[%add3A_117, %dma_start3A_120] : memref<32768x128xf32, #tpu.memory_space<hbm>> -> memref<128x128xf32, #tpu.memory_space<hbm>>
    tpu.enqueue_dma source(%arg7 : memref<128x128xf32, #tpu.memory_space<vmem>>) target(%dma_start3A_121 : memref<128x128xf32, #tpu.memory_space<hbm>>) target_semaphore(%arg11 : memref<!tpu.dma_semaphore, #tpu.memory_space<semaphore_mem>>)
    %dma_wait3A_122 = arith.constant 0 : i32
    %dma_wait3A_123 = tpu.memref_slice %arg4[%add3A_117, %dma_wait3A_122] : memref<32768x128xf32, #tpu.memory_space<hbm>> -> memref<128x128xf32, #tpu.memory_space<hbm>>
    %dma_wait3A_124 = arith.constant 0 : i32
    %dma_wait3A_125 = tpu.memref_slice %arg4[%add3A_117, %dma_wait3A_124] : memref<32768x128xf32, #tpu.memory_space<hbm>> -> memref<128x128xf32, #tpu.memory_space<hbm>>
    tpu.wait_dma2 semaphore(%arg11 : memref<!tpu.dma_semaphore, #tpu.memory_space<semaphore_mem>>) src(%arg7 : memref<128x128xf32, #tpu.memory_space<vmem>>) dst(%dma_wait3A_125 : memref<128x128xf32, #tpu.memory_space<hbm>>)
    %dma_start3A_126 = arith.constant 896 : i32
    %dma_start3A_127 = tpu.memref_slice %arg5[%dma_start3A_126] : memref<1024xi32, #tpu.memory_space<vmem>> -> memref<128xi32, #tpu.memory_space<vmem>>
    %dma_start3A_128 = arith.constant 0 : i32
    %dma_start3A_129 = arith.constant 0 : i32
    %dma_start3A_130 = tpu.memref_slice %arg3[%dma_start3A_128, %dma_start3A_129] : memref<8192x128xf32, #tpu.memory_space<hbm>> -> memref<8192x128xf32, #tpu.memory_space<hbm>>
    tpu.enqueue_indirect_dma source(%dma_start3A_130 : memref<8192x128xf32, #tpu.memory_space<hbm>>) target(%arg7 : memref<128x128xf32, #tpu.memory_space<vmem>>) offsets(%dma_start3A_127 : memref<128xi32, #tpu.memory_space<vmem>>) semaphore(%arg9 : memref<!tpu.dma_semaphore, #tpu.memory_space<semaphore_mem>>)
    %dma_wait3A_131 = arith.constant 768 : i32
    %dma_wait3A_132 = tpu.memref_slice %arg5[%dma_wait3A_131] : memref<1024xi32, #tpu.memory_space<vmem>> -> memref<128xi32, #tpu.memory_space<vmem>>
    %dma_wait3A_133 = arith.constant 0 : i32
    %dma_wait3A_134 = arith.constant 0 : i32
    %dma_wait3A_135 = tpu.memref_slice %arg3[%dma_wait3A_133, %dma_wait3A_134] : memref<8192x128xf32, #tpu.memory_space<hbm>> -> memref<8192x128xf32, #tpu.memory_space<hbm>>
    tpu.wait_indirect_dma semaphore(%arg8 : memref<!tpu.dma_semaphore, #tpu.memory_space<semaphore_mem>>) src(%dma_wait3A_135 : memref<8192x128xf32, #tpu.memory_space<hbm>>) dst(%arg6 : memref<128x128xf32, #tpu.memory_space<vmem>>)
    %add3A_136 = arith.constant 768 : i32
    %add3A_137 = arith.addi %mul3A_2, %add3A_136 : i32
    %dma_start3A_138 = arith.constant 0 : i32
    %dma_start3A_139 = tpu.memref_slice %arg4[%add3A_137, %dma_start3A_138] : memref<32768x128xf32, #tpu.memory_space<hbm>> -> memref<128x128xf32, #tpu.memory_space<hbm>>
    %dma_start3A_140 = arith.constant 0 : i32
    %dma_start3A_141 = tpu.memref_slice %arg4[%add3A_137, %dma_start3A_140] : memref<32768x128xf32, #tpu.memory_space<hbm>> -> memref<128x128xf32, #tpu.memory_space<hbm>>
    tpu.enqueue_dma source(%arg6 : memref<128x128xf32, #tpu.memory_space<vmem>>) target(%dma_start3A_141 : memref<128x128xf32, #tpu.memory_space<hbm>>) target_semaphore(%arg10 : memref<!tpu.dma_semaphore, #tpu.memory_space<semaphore_mem>>)
    %dma_wait3A_142 = arith.constant 896 : i32
    %dma_wait3A_143 = tpu.memref_slice %arg5[%dma_wait3A_142] : memref<1024xi32, #tpu.memory_space<vmem>> -> memref<128xi32, #tpu.memory_space<vmem>>
    %dma_wait3A_144 = arith.constant 0 : i32
    %dma_wait3A_145 = arith.constant 0 : i32
    %dma_wait3A_146 = tpu.memref_slice %arg3[%dma_wait3A_144, %dma_wait3A_145] : memref<8192x128xf32, #tpu.memory_space<hbm>> -> memref<8192x128xf32, #tpu.memory_space<hbm>>
    tpu.wait_indirect_dma semaphore(%arg9 : memref<!tpu.dma_semaphore, #tpu.memory_space<semaphore_mem>>) src(%dma_wait3A_146 : memref<8192x128xf32, #tpu.memory_space<hbm>>) dst(%arg7 : memref<128x128xf32, #tpu.memory_space<vmem>>)
    %add3A_147 = arith.constant 896 : i32
    %add3A_148 = arith.addi %mul3A_2, %add3A_147 : i32
    %dma_start3A_149 = arith.constant 0 : i32
    %dma_start3A_150 = tpu.memref_slice %arg4[%add3A_148, %dma_start3A_149] : memref<32768x128xf32, #tpu.memory_space<hbm>> -> memref<128x128xf32, #tpu.memory_space<hbm>>
    %dma_start3A_151 = arith.constant 0 : i32
    %dma_start3A_152 = tpu.memref_slice %arg4[%add3A_148, %dma_start3A_151] : memref<32768x128xf32, #tpu.memory_space<hbm>> -> memref<128x128xf32, #tpu.memory_space<hbm>>
    tpu.enqueue_dma source(%arg7 : memref<128x128xf32, #tpu.memory_space<vmem>>) target(%dma_start3A_152 : memref<128x128xf32, #tpu.memory_space<hbm>>) target_semaphore(%arg11 : memref<!tpu.dma_semaphore, #tpu.memory_space<semaphore_mem>>)
    %dma_wait3A_153 = arith.constant 0 : i32
    %dma_wait3A_154 = tpu.memref_slice %arg4[%add3A_137, %dma_wait3A_153] : memref<32768x128xf32, #tpu.memory_space<hbm>> -> memref<128x128xf32, #tpu.memory_space<hbm>>
    %dma_wait3A_155 = arith.constant 0 : i32
    %dma_wait3A_156 = tpu.memref_slice %arg4[%add3A_137, %dma_wait3A_155] : memref<32768x128xf32, #tpu.memory_space<hbm>> -> memref<128x128xf32, #tpu.memory_space<hbm>>
    tpu.wait_dma2 semaphore(%arg10 : memref<!tpu.dma_semaphore, #tpu.memory_space<semaphore_mem>>) src(%arg6 : memref<128x128xf32, #tpu.memory_space<vmem>>) dst(%dma_wait3A_156 : memref<128x128xf32, #tpu.memory_space<hbm>>)
    %dma_wait3A_157 = arith.constant 0 : i32
    %dma_wait3A_158 = tpu.memref_slice %arg4[%add3A_148, %dma_wait3A_157] : memref<32768x128xf32, #tpu.memory_space<hbm>> -> memref<128x128xf32, #tpu.memory_space<hbm>>
    %dma_wait3A_159 = arith.constant 0 : i32
    %dma_wait3A_160 = tpu.memref_slice %arg4[%add3A_148, %dma_wait3A_159] : memref<32768x128xf32, #tpu.memory_space<hbm>> -> memref<128x128xf32, #tpu.memory_space<hbm>>
    tpu.wait_dma2 semaphore(%arg11 : memref<!tpu.dma_semaphore, #tpu.memory_space<semaphore_mem>>) src(%arg7 : memref<128x128xf32, #tpu.memory_space<vmem>>) dst(%dma_wait3A_160 : memref<128x128xf32, #tpu.memory_space<hbm>>)
    return
  }
}

module attributes {stable_mosaic.version = 14 : i64} {
  func.func @body(%arg0: i32, %arg1: i32, %arg2: i32, %arg3: memref<1x1x1024x8xf32, #tpu.memory_space<vmem>>, %arg4: memref<1x1x8x1024xf32, #tpu.memory_space<vmem>>, %arg5: memref<1x1x8x1024xf32, #tpu.memory_space<vmem>>, %arg6: memref<1x1x8x1024xf32, #tpu.memory_space<vmem>>, %arg7: memref<1x1x1024x8xi32, #tpu.memory_space<vmem>>) attributes {dimension_semantics = [#tpu.dimension_semantics<arbitrary>, #tpu.dimension_semantics<arbitrary>, #tpu.dimension_semantics<arbitrary>], iteration_bounds = array<i64: 2, 2, 1>, scalar_prefetch = 0 : i64, scratch_operands = 0 : i64, tpu.core_type = #tpu.core_type<tc>, window_params = [{transform_indices = @transform_0, window_bounds = array<i64: 1, 1, 1024, 8>}, {transform_indices = @transform_1, window_bounds = array<i64: 1, 1, 8, 1024>}, {transform_indices = @transform_2, window_bounds = array<i64: 1, 1, 8, 1024>}, {transform_indices = @transform_3, window_bounds = array<i64: 1, 1, 8, 1024>}, {transform_indices = @transform_4, window_bounds = array<i64: 1, 1, 1024, 8>}]} {
    %get3A = arith.constant 0 : index
    %get3A_0 = arith.constant 0 : index
    %get3A_1 = arith.constant 0 : index
    %get3A_2 = arith.constant 0 : index
    %get3A_3 = vector.load %arg3[%get3A, %get3A_0, %get3A_1, %get3A_2] : memref<1x1x1024x8xf32, #tpu.memory_space<vmem>>, vector<1x1x1024x8xf32>
    %get3A_4 = vector.shape_cast %get3A_3 : vector<1x1x1024x8xf32> to vector<1024x8xf32>
    %mul3A = arith.mulf %get3A_4, %get3A_4 : vector<1024x8xf32>
    %reduce_sum3A = arith.constant dense<0.000000e+00> : vector<1024xf32>
    %reduce_sum3A_5 = vector.multi_reduction <add>, %mul3A, %reduce_sum3A [1] : vector<1024x8xf32> to vector<1024xf32>
    %mul3A_6 = arith.constant 2.500000e-01 : f32
    %mul3A_7 = vector.broadcast %mul3A_6 : f32 to vector<1024xf32>
    %mul3A_8 = arith.mulf %mul3A_7, %reduce_sum3A_5 : vector<1024xf32>
    %get3A_9 = arith.constant 0 : index
    %get3A_10 = arith.constant 0 : index
    %get3A_11 = arith.constant 0 : index
    %get3A_12 = arith.constant 0 : index
    %get3A_13 = vector.load %arg4[%get3A_9, %get3A_10, %get3A_11, %get3A_12] : memref<1x1x8x1024xf32, #tpu.memory_space<vmem>>, vector<1x1x8x1024xf32>
    %get3A_14 = vector.shape_cast %get3A_13 : vector<1x1x8x1024xf32> to vector<8x1024xf32>
    %mul3A_15 = arith.mulf %get3A_14, %get3A_14 : vector<8x1024xf32>
    %reduce_sum3A_16 = arith.constant dense<0.000000e+00> : vector<1024xf32>
    %reduce_sum3A_17 = vector.multi_reduction <add>, %mul3A_15, %reduce_sum3A_16 [0] : vector<8x1024xf32> to vector<1024xf32>
    %dot_general3A = arith.constant dense<0.000000e+00> : vector<1024x1024xf32>
    %dot_general3A_18 = tpu.matmul %get3A_4, %get3A_14, %dot_general3A {dimension_numbers = #tpu.dot_dimension_numbers<[1], [0], [0], [1], [0, 0, 1, 1], [], []>, transpose_lhs_hint = false} : vector<1024x8xf32>, vector<8x1024xf32>, vector<1024x1024xf32> -> vector<1024x1024xf32>
    %broadcast_in_dim3A = vector.shape_cast %mul3A_8 : vector<1024xf32> to vector<1024x1xf32>
    %broadcast_in_dim3A_19 = vector.shape_cast %reduce_sum3A_17 : vector<1024xf32> to vector<1x1024xf32>
    %add3A = vector.broadcast %broadcast_in_dim3A : vector<1024x1xf32> to vector<1024x1024xf32>
    %add3A_20 = vector.broadcast %broadcast_in_dim3A_19 : vector<1x1024xf32> to vector<1024x1024xf32>
    %add3A_21 = arith.addf %add3A, %add3A_20 : vector<1024x1024xf32>
    %add3A_22 = arith.addf %add3A_21, %dot_general3A_18 : vector<1024x1024xf32>
    %get3A_23 = arith.constant 0 : index
    %get3A_24 = arith.constant 0 : index
    %get3A_25 = arith.constant 0 : index
    %get3A_26 = arith.constant 0 : index
    %get3A_27 = vector.load %arg5[%get3A_23, %get3A_24, %get3A_25, %get3A_26] : memref<1x1x8x1024xf32, #tpu.memory_space<vmem>>, vector<1x1x8x1024xf32>
    %get3A_28 = vector.shape_cast %get3A_27 : vector<1x1x8x1024xf32> to vector<8x1024xf32>
    %mul3A_29 = arith.mulf %get3A_28, %get3A_28 : vector<8x1024xf32>
    %reduce_sum3A_30 = arith.constant dense<0.000000e+00> : vector<1024xf32>
    %reduce_sum3A_31 = vector.multi_reduction <add>, %mul3A_29, %reduce_sum3A_30 [0] : vector<8x1024xf32> to vector<1024xf32>
    %dot_general3A_32 = arith.constant dense<0.000000e+00> : vector<1024x1024xf32>
    %dot_general3A_33 = tpu.matmul %get3A_4, %get3A_28, %dot_general3A_32 {dimension_numbers = #tpu.dot_dimension_numbers<[1], [0], [0], [1], [0, 0, 1, 1], [], []>, transpose_lhs_hint = false} : vector<1024x8xf32>, vector<8x1024xf32>, vector<1024x1024xf32> -> vector<1024x1024xf32>
    %broadcast_in_dim3A_34 = vector.shape_cast %mul3A_8 : vector<1024xf32> to vector<1024x1xf32>
    %broadcast_in_dim3A_35 = vector.shape_cast %reduce_sum3A_31 : vector<1024xf32> to vector<1x1024xf32>
    %add3A_36 = vector.broadcast %broadcast_in_dim3A_34 : vector<1024x1xf32> to vector<1024x1024xf32>
    %add3A_37 = vector.broadcast %broadcast_in_dim3A_35 : vector<1x1024xf32> to vector<1024x1024xf32>
    %add3A_38 = arith.addf %add3A_36, %add3A_37 : vector<1024x1024xf32>
    %add3A_39 = arith.addf %add3A_38, %dot_general3A_33 : vector<1024x1024xf32>
    %get3A_40 = arith.constant 0 : index
    %get3A_41 = arith.constant 0 : index
    %get3A_42 = arith.constant 0 : index
    %get3A_43 = arith.constant 0 : index
    %get3A_44 = vector.load %arg6[%get3A_40, %get3A_41, %get3A_42, %get3A_43] : memref<1x1x8x1024xf32, #tpu.memory_space<vmem>>, vector<1x1x8x1024xf32>
    %get3A_45 = vector.shape_cast %get3A_44 : vector<1x1x8x1024xf32> to vector<8x1024xf32>
    %mul3A_46 = arith.mulf %get3A_45, %get3A_45 : vector<8x1024xf32>
    %reduce_sum3A_47 = arith.constant dense<0.000000e+00> : vector<1024xf32>
    %reduce_sum3A_48 = vector.multi_reduction <add>, %mul3A_46, %reduce_sum3A_47 [0] : vector<8x1024xf32> to vector<1024xf32>
    %dot_general3A_49 = arith.constant dense<0.000000e+00> : vector<1024x1024xf32>
    %dot_general3A_50 = tpu.matmul %get3A_4, %get3A_45, %dot_general3A_49 {dimension_numbers = #tpu.dot_dimension_numbers<[1], [0], [0], [1], [0, 0, 1, 1], [], []>, transpose_lhs_hint = false} : vector<1024x8xf32>, vector<8x1024xf32>, vector<1024x1024xf32> -> vector<1024x1024xf32>
    %broadcast_in_dim3A_51 = vector.shape_cast %mul3A_8 : vector<1024xf32> to vector<1024x1xf32>
    %broadcast_in_dim3A_52 = vector.shape_cast %reduce_sum3A_48 : vector<1024xf32> to vector<1x1024xf32>
    %add3A_53 = vector.broadcast %broadcast_in_dim3A_51 : vector<1024x1xf32> to vector<1024x1024xf32>
    %add3A_54 = vector.broadcast %broadcast_in_dim3A_52 : vector<1x1024xf32> to vector<1024x1024xf32>
    %add3A_55 = arith.addf %add3A_53, %add3A_54 : vector<1024x1024xf32>
    %add3A_56 = arith.addf %add3A_55, %dot_general3A_50 : vector<1024x1024xf32>
    %concatenate3A = tpu.concatenate %add3A_22, %add3A_39, %add3A_56 in 1 : vector<1024x1024xf32>, vector<1024x1024xf32>, vector<1024x1024xf32> -> vector<1024x3072xf32>
    %iota3A = tpu.iota {dimensions = array<i32: 1>} : vector<1024x3072xi32>
    %max3A = arith.constant 9.99999993E-9 : f32
    %max3A_57 = vector.broadcast %max3A : f32 to vector<1024x3072xf32>
    %max3A_58 = arith.maximumf %concatenate3A, %max3A_57 : vector<1024x3072xf32>
    %bitcast_convert_type3A = tpu.bitcast %max3A_58 : vector<1024x3072xf32> -> vector<1024x3072xi32>
    %sub3A = arith.constant 841731191 : i32
    %sub3A_59 = vector.broadcast %sub3A : i32 to vector<1024x3072xi32>
    %sub3A_60 = arith.subi %bitcast_convert_type3A, %sub3A_59 : vector<1024x3072xi32>
    %shift_left3A = arith.constant 2 : i32
    %shift_left3A_61 = vector.broadcast %shift_left3A : i32 to vector<1024x3072xi32>
    %shift_left3A_62 = arith.shli %sub3A_60, %shift_left3A_61 : vector<1024x3072xi32>
    %and3A = arith.constant -4096 : i32
    %and3A_63 = vector.broadcast %and3A : i32 to vector<1024x3072xi32>
    %and3A_64 = arith.andi %shift_left3A_62, %and3A_63 : vector<1024x3072xi32>
    %or3A = arith.ori %and3A_64, %iota3A : vector<1024x3072xi32>
    %reduce_min3A = arith.constant dense<2147483647> : vector<1024xi32>
    %reduce_min3A_65 = vector.multi_reduction <minsi>, %or3A, %reduce_min3A [1] : vector<1024x3072xi32> to vector<1024xi32>
    %broadcast_in_dim3A_66 = vector.shape_cast %reduce_min3A_65 : vector<1024xi32> to vector<1024x1xi32>
    %squeeze3A = vector.shape_cast %broadcast_in_dim3A_66 : vector<1024x1xi32> to vector<1024xi32>
    %and3A_67 = arith.constant 4095 : i32
    %and3A_68 = vector.broadcast %and3A_67 : i32 to vector<1024xi32>
    %and3A_69 = arith.andi %squeeze3A, %and3A_68 : vector<1024xi32>
    %eq3A = vector.broadcast %broadcast_in_dim3A_66 : vector<1024x1xi32> to vector<1024x3072xi32>
    %eq3A_70 = arith.cmpi eq, %or3A, %eq3A : vector<1024x3072xi32>
    %jit3A = arith.constant 2147483647 : i32
    %broadcast_in_dim3A_71 = vector.broadcast %jit3A : i32 to vector<1024x3072xi32>
    %select_n3A = arith.select %eq3A_70, %broadcast_in_dim3A_71, %or3A : vector<1024x3072xi1>, vector<1024x3072xi32>
    %reduce_min3A_72 = arith.constant dense<2147483647> : vector<1024xi32>
    %reduce_min3A_73 = vector.multi_reduction <minsi>, %select_n3A, %reduce_min3A_72 [1] : vector<1024x3072xi32> to vector<1024xi32>
    %broadcast_in_dim3A_74 = vector.shape_cast %reduce_min3A_73 : vector<1024xi32> to vector<1024x1xi32>
    %squeeze3A_75 = vector.shape_cast %broadcast_in_dim3A_74 : vector<1024x1xi32> to vector<1024xi32>
    %and3A_76 = arith.constant 4095 : i32
    %and3A_77 = vector.broadcast %and3A_76 : i32 to vector<1024xi32>
    %and3A_78 = arith.andi %squeeze3A_75, %and3A_77 : vector<1024xi32>
    %eq3A_79 = vector.broadcast %broadcast_in_dim3A_74 : vector<1024x1xi32> to vector<1024x3072xi32>
    %eq3A_80 = arith.cmpi eq, %select_n3A, %eq3A_79 : vector<1024x3072xi32>
    %jit3A_81 = arith.constant 2147483647 : i32
    %broadcast_in_dim3A_82 = vector.broadcast %jit3A_81 : i32 to vector<1024x3072xi32>
    %select_n3A_83 = arith.select %eq3A_80, %broadcast_in_dim3A_82, %select_n3A : vector<1024x3072xi1>, vector<1024x3072xi32>
    %reduce_min3A_84 = arith.constant dense<2147483647> : vector<1024xi32>
    %reduce_min3A_85 = vector.multi_reduction <minsi>, %select_n3A_83, %reduce_min3A_84 [1] : vector<1024x3072xi32> to vector<1024xi32>
    %broadcast_in_dim3A_86 = vector.shape_cast %reduce_min3A_85 : vector<1024xi32> to vector<1024x1xi32>
    %squeeze3A_87 = vector.shape_cast %broadcast_in_dim3A_86 : vector<1024x1xi32> to vector<1024xi32>
    %and3A_88 = arith.constant 4095 : i32
    %and3A_89 = vector.broadcast %and3A_88 : i32 to vector<1024xi32>
    %and3A_90 = arith.andi %squeeze3A_87, %and3A_89 : vector<1024xi32>
    %eq3A_91 = vector.broadcast %broadcast_in_dim3A_86 : vector<1024x1xi32> to vector<1024x3072xi32>
    %eq3A_92 = arith.cmpi eq, %select_n3A_83, %eq3A_91 : vector<1024x3072xi32>
    %jit3A_93 = arith.constant 2147483647 : i32
    %broadcast_in_dim3A_94 = vector.broadcast %jit3A_93 : i32 to vector<1024x3072xi32>
    %select_n3A_95 = arith.select %eq3A_92, %broadcast_in_dim3A_94, %select_n3A_83 : vector<1024x3072xi1>, vector<1024x3072xi32>
    %reduce_min3A_96 = arith.constant dense<2147483647> : vector<1024xi32>
    %reduce_min3A_97 = vector.multi_reduction <minsi>, %select_n3A_95, %reduce_min3A_96 [1] : vector<1024x3072xi32> to vector<1024xi32>
    %broadcast_in_dim3A_98 = vector.shape_cast %reduce_min3A_97 : vector<1024xi32> to vector<1024x1xi32>
    %squeeze3A_99 = vector.shape_cast %broadcast_in_dim3A_98 : vector<1024x1xi32> to vector<1024xi32>
    %and3A_100 = arith.constant 4095 : i32
    %and3A_101 = vector.broadcast %and3A_100 : i32 to vector<1024xi32>
    %and3A_102 = arith.andi %squeeze3A_99, %and3A_101 : vector<1024xi32>
    %eq3A_103 = vector.broadcast %broadcast_in_dim3A_98 : vector<1024x1xi32> to vector<1024x3072xi32>
    %eq3A_104 = arith.cmpi eq, %select_n3A_95, %eq3A_103 : vector<1024x3072xi32>
    %jit3A_105 = arith.constant 2147483647 : i32
    %broadcast_in_dim3A_106 = vector.broadcast %jit3A_105 : i32 to vector<1024x3072xi32>
    %select_n3A_107 = arith.select %eq3A_104, %broadcast_in_dim3A_106, %select_n3A_95 : vector<1024x3072xi1>, vector<1024x3072xi32>
    %reduce_min3A_108 = arith.constant dense<2147483647> : vector<1024xi32>
    %reduce_min3A_109 = vector.multi_reduction <minsi>, %select_n3A_107, %reduce_min3A_108 [1] : vector<1024x3072xi32> to vector<1024xi32>
    %broadcast_in_dim3A_110 = vector.shape_cast %reduce_min3A_109 : vector<1024xi32> to vector<1024x1xi32>
    %squeeze3A_111 = vector.shape_cast %broadcast_in_dim3A_110 : vector<1024x1xi32> to vector<1024xi32>
    %and3A_112 = arith.constant 4095 : i32
    %and3A_113 = vector.broadcast %and3A_112 : i32 to vector<1024xi32>
    %and3A_114 = arith.andi %squeeze3A_111, %and3A_113 : vector<1024xi32>
    %eq3A_115 = vector.broadcast %broadcast_in_dim3A_110 : vector<1024x1xi32> to vector<1024x3072xi32>
    %eq3A_116 = arith.cmpi eq, %select_n3A_107, %eq3A_115 : vector<1024x3072xi32>
    %jit3A_117 = arith.constant 2147483647 : i32
    %broadcast_in_dim3A_118 = vector.broadcast %jit3A_117 : i32 to vector<1024x3072xi32>
    %select_n3A_119 = arith.select %eq3A_116, %broadcast_in_dim3A_118, %select_n3A_107 : vector<1024x3072xi1>, vector<1024x3072xi32>
    %reduce_min3A_120 = arith.constant dense<2147483647> : vector<1024xi32>
    %reduce_min3A_121 = vector.multi_reduction <minsi>, %select_n3A_119, %reduce_min3A_120 [1] : vector<1024x3072xi32> to vector<1024xi32>
    %broadcast_in_dim3A_122 = vector.shape_cast %reduce_min3A_121 : vector<1024xi32> to vector<1024x1xi32>
    %squeeze3A_123 = vector.shape_cast %broadcast_in_dim3A_122 : vector<1024x1xi32> to vector<1024xi32>
    %and3A_124 = arith.constant 4095 : i32
    %and3A_125 = vector.broadcast %and3A_124 : i32 to vector<1024xi32>
    %and3A_126 = arith.andi %squeeze3A_123, %and3A_125 : vector<1024xi32>
    %eq3A_127 = vector.broadcast %broadcast_in_dim3A_122 : vector<1024x1xi32> to vector<1024x3072xi32>
    %eq3A_128 = arith.cmpi eq, %select_n3A_119, %eq3A_127 : vector<1024x3072xi32>
    %jit3A_129 = arith.constant 2147483647 : i32
    %broadcast_in_dim3A_130 = vector.broadcast %jit3A_129 : i32 to vector<1024x3072xi32>
    %select_n3A_131 = arith.select %eq3A_128, %broadcast_in_dim3A_130, %select_n3A_119 : vector<1024x3072xi1>, vector<1024x3072xi32>
    %reduce_min3A_132 = arith.constant dense<2147483647> : vector<1024xi32>
    %reduce_min3A_133 = vector.multi_reduction <minsi>, %select_n3A_131, %reduce_min3A_132 [1] : vector<1024x3072xi32> to vector<1024xi32>
    %broadcast_in_dim3A_134 = vector.shape_cast %reduce_min3A_133 : vector<1024xi32> to vector<1024x1xi32>
    %squeeze3A_135 = vector.shape_cast %broadcast_in_dim3A_134 : vector<1024x1xi32> to vector<1024xi32>
    %and3A_136 = arith.constant 4095 : i32
    %and3A_137 = vector.broadcast %and3A_136 : i32 to vector<1024xi32>
    %and3A_138 = arith.andi %squeeze3A_135, %and3A_137 : vector<1024xi32>
    %eq3A_139 = vector.broadcast %broadcast_in_dim3A_134 : vector<1024x1xi32> to vector<1024x3072xi32>
    %eq3A_140 = arith.cmpi eq, %select_n3A_131, %eq3A_139 : vector<1024x3072xi32>
    %jit3A_141 = arith.constant 2147483647 : i32
    %broadcast_in_dim3A_142 = vector.broadcast %jit3A_141 : i32 to vector<1024x3072xi32>
    %select_n3A_143 = arith.select %eq3A_140, %broadcast_in_dim3A_142, %select_n3A_131 : vector<1024x3072xi1>, vector<1024x3072xi32>
    %reduce_min3A_144 = arith.constant dense<2147483647> : vector<1024xi32>
    %reduce_min3A_145 = vector.multi_reduction <minsi>, %select_n3A_143, %reduce_min3A_144 [1] : vector<1024x3072xi32> to vector<1024xi32>
    %broadcast_in_dim3A_146 = vector.shape_cast %reduce_min3A_145 : vector<1024xi32> to vector<1024x1xi32>
    %squeeze3A_147 = vector.shape_cast %broadcast_in_dim3A_146 : vector<1024x1xi32> to vector<1024xi32>
    %and3A_148 = arith.constant 4095 : i32
    %and3A_149 = vector.broadcast %and3A_148 : i32 to vector<1024xi32>
    %and3A_150 = arith.andi %squeeze3A_147, %and3A_149 : vector<1024xi32>
    %stack3A = vector.shape_cast %and3A_69 : vector<1024xi32> to vector<1024x1xi32>
    %stack3A_151 = vector.shape_cast %and3A_78 : vector<1024xi32> to vector<1024x1xi32>
    %stack3A_152 = vector.shape_cast %and3A_90 : vector<1024xi32> to vector<1024x1xi32>
    %stack3A_153 = vector.shape_cast %and3A_102 : vector<1024xi32> to vector<1024x1xi32>
    %stack3A_154 = vector.shape_cast %and3A_114 : vector<1024xi32> to vector<1024x1xi32>
    %stack3A_155 = vector.shape_cast %and3A_126 : vector<1024xi32> to vector<1024x1xi32>
    %stack3A_156 = vector.shape_cast %and3A_138 : vector<1024xi32> to vector<1024x1xi32>
    %stack3A_157 = vector.shape_cast %and3A_150 : vector<1024xi32> to vector<1024x1xi32>
    %stack3A_158 = tpu.concatenate %stack3A, %stack3A_151, %stack3A_152, %stack3A_153, %stack3A_154, %stack3A_155, %stack3A_156, %stack3A_157 in 1 : vector<1024x1xi32>, vector<1024x1xi32>, vector<1024x1xi32>, vector<1024x1xi32>, vector<1024x1xi32>, vector<1024x1xi32>, vector<1024x1xi32>, vector<1024x1xi32> -> vector<1024x8xi32>
    %mul3A_159 = arith.constant 1 : i32
    %mul3A_160 = arith.muli %mul3A_159, %arg0 : i32
    %add3A_161 = arith.constant 0 : i32
    %add3A_162 = arith.addi %add3A_161, %mul3A_160 : i32
    %and3A_163 = arith.constant -1024 : i32
    %and3A_164 = vector.broadcast %and3A_163 : i32 to vector<1024x8xi32>
    %and3A_165 = arith.andi %stack3A_158, %and3A_164 : vector<1024x8xi32>
    %mul3A_166 = arith.constant 1 : i32
    %mul3A_167 = vector.broadcast %mul3A_166 : i32 to vector<1024x8xi32>
    %mul3A_168 = arith.muli %and3A_165, %mul3A_167 : vector<1024x8xi32>
    %add3A_169 = arith.addi %stack3A_158, %mul3A_168 : vector<1024x8xi32>
    %mul3A_170 = arith.constant 2 : i32
    %mul3A_171 = arith.muli %add3A_162, %mul3A_170 : i32
    %add3A_172 = arith.addi %mul3A_171, %arg1 : i32
    %mul3A_173 = arith.constant 1024 : i32
    %mul3A_174 = arith.muli %add3A_172, %mul3A_173 : i32
    %add3A_175 = vector.broadcast %mul3A_174 : i32 to vector<1024x8xi32>
    %add3A_176 = arith.addi %add3A_169, %add3A_175 : vector<1024x8xi32>
    %swap3A = arith.constant 0 : index
    %swap3A_177 = arith.constant 0 : index
    %swap3A_178 = arith.constant 0 : index
    %swap3A_179 = arith.constant 0 : index
    %swap3A_180 = vector.load %arg7[%swap3A, %swap3A_177, %swap3A_178, %swap3A_179] : memref<1x1x1024x8xi32, #tpu.memory_space<vmem>>, vector<1x1x1024x8xi32>
    %swap3A_181 = vector.shape_cast %swap3A_180 : vector<1x1x1024x8xi32> to vector<1024x8xi32>
    %swap3A_182 = vector.shape_cast %add3A_176 : vector<1024x8xi32> to vector<1x1x1024x8xi32>
    tpu.vector_store %arg7[%swap3A, %swap3A_177, %swap3A_178, %swap3A_179], %swap3A_182 {strides = array<i32>} : memref<1x1x1024x8xi32, #tpu.memory_space<vmem>>, vector<1x1x1024x8xi32>,
    return
  }
  func.func @transform_0(%arg0: i32, %arg1: i32, %arg2: i32) -> (i32, i32, i32, i32) {
    %mul3A = arith.constant 1 : i32
    %mul3A_0 = arith.muli %mul3A, %arg0 : i32
    %add3A = arith.constant 1 : i32
    %add3A_1 = arith.addi %add3A, %mul3A_0 : i32
    %c0_i32 = arith.constant 0 : i32
    %c0_i32_2 = arith.constant 0 : i32
    return %add3A_1, %arg1, %arg2, %c0_i32 : i32, i32, i32, i32
  }
  func.func @transform_1(%arg0: i32, %arg1: i32, %arg2: i32) -> (i32, i32, i32, i32) {
    %mul3A = arith.constant 1 : i32
    %mul3A_0 = arith.muli %mul3A, %arg0 : i32
    %add3A = arith.constant 0 : i32
    %add3A_1 = arith.addi %add3A, %mul3A_0 : i32
    %add3A_2 = arith.constant 0 : i32
    %add3A_3 = arith.addi %add3A_1, %add3A_2 : i32
    %c0_i32 = arith.constant 0 : i32
    %c0_i32_4 = arith.constant 0 : i32
    %c0_i32_5 = arith.constant 0 : i32
    return %add3A_3, %arg1, %c0_i32, %c0_i32_4 : i32, i32, i32, i32
  }
  func.func @transform_2(%arg0: i32, %arg1: i32, %arg2: i32) -> (i32, i32, i32, i32) {
    %mul3A = arith.constant 1 : i32
    %mul3A_0 = arith.muli %mul3A, %arg0 : i32
    %add3A = arith.constant 0 : i32
    %add3A_1 = arith.addi %add3A, %mul3A_0 : i32
    %add3A_2 = arith.constant 1 : i32
    %add3A_3 = arith.addi %add3A_1, %add3A_2 : i32
    %c0_i32 = arith.constant 0 : i32
    %c0_i32_4 = arith.constant 0 : i32
    %c0_i32_5 = arith.constant 0 : i32
    return %add3A_3, %arg1, %c0_i32, %c0_i32_4 : i32, i32, i32, i32
  }
  func.func @transform_3(%arg0: i32, %arg1: i32, %arg2: i32) -> (i32, i32, i32, i32) {
    %mul3A = arith.constant 1 : i32
    %mul3A_0 = arith.muli %mul3A, %arg0 : i32
    %add3A = arith.constant 0 : i32
    %add3A_1 = arith.addi %add3A, %mul3A_0 : i32
    %add3A_2 = arith.constant 2 : i32
    %add3A_3 = arith.addi %add3A_1, %add3A_2 : i32
    %c0_i32 = arith.constant 0 : i32
    %c0_i32_4 = arith.constant 0 : i32
    %c0_i32_5 = arith.constant 0 : i32
    return %add3A_3, %arg1, %c0_i32, %c0_i32_4 : i32, i32, i32, i32
  }
  func.func @transform_4(%arg0: i32, %arg1: i32, %arg2: i32) -> (i32, i32, i32, i32) {
    %c0_i32 = arith.constant 0 : i32
    %c0_i32_0 = arith.constant 0 : i32
    return %arg0, %arg1, %arg2, %c0_i32 : i32, i32, i32, i32
  }
}

module attributes {stable_mosaic.version = 14 : i64} {
  func.func @body(%arg0: i32, %arg1: i32, %arg2: memref<1x1x1024x128xf32, #tpu.memory_space<vmem>>, %arg3: memref<1x1x1024x8xf32, #tpu.memory_space<vmem>>, %arg4: memref<128x256xf32, #tpu.memory_space<vmem>>, %arg5: memref<8x256xf32, #tpu.memory_space<vmem>>, %arg6: memref<8x256xf32, #tpu.memory_space<vmem>>, %arg7: memref<8x256xf32, #tpu.memory_space<vmem>>, %arg8: memref<1024x128xf32, #tpu.memory_space<vmem>>, %arg9: memref<1024x128xf32, #tpu.memory_space<vmem>>) attributes {dimension_semantics = [#tpu.dimension_semantics<arbitrary>, #tpu.dimension_semantics<arbitrary>], iteration_bounds = array<i64: 4, 2>, scalar_prefetch = 0 : i64, scratch_operands = 0 : i64, tpu.core_type = #tpu.core_type<tc>, window_params = [{transform_indices = @transform_0, window_bounds = array<i64: 1, 1, 1024, 128>}, {transform_indices = @transform_1, window_bounds = array<i64: 1, 1, 1024, 8>}, {pipeline_mode = #tpu.pipeline_mode<synchronous>, transform_indices = @transform_2, window_bounds = array<i64: 128, 256>}, {pipeline_mode = #tpu.pipeline_mode<synchronous>, transform_indices = @transform_3, window_bounds = array<i64: 8, 256>}, {pipeline_mode = #tpu.pipeline_mode<synchronous>, transform_indices = @transform_4, window_bounds = array<i64: 8, 256>}, {pipeline_mode = #tpu.pipeline_mode<synchronous>, transform_indices = @transform_5, window_bounds = array<i64: 8, 256>}, {transform_indices = @transform_6, window_bounds = array<i64: 1024, 128>}, {transform_indices = @transform_7, window_bounds = array<i64: 1024, 128>}]} {
    %convert_element_type3A = arith.sitofp %arg0 : i32 to f32
    %get3A = arith.constant 0 : index
    %get3A_0 = arith.constant 0 : index
    %get3A_1 = arith.constant 0 : index
    %get3A_2 = arith.constant 0 : index
    %get3A_3 = vector.load %arg2[%get3A, %get3A_0, %get3A_1, %get3A_2] : memref<1x1x1024x128xf32, #tpu.memory_space<vmem>>, vector<1x1x1024x128xf32>
    %get3A_4 = vector.shape_cast %get3A_3 : vector<1x1x1024x128xf32> to vector<1024x128xf32>
    %get3A_5 = arith.constant 0 : index
    %get3A_6 = arith.constant 0 : index
    %get3A_7 = vector.load %arg4[%get3A_5, %get3A_6] : memref<128x256xf32, #tpu.memory_space<vmem>>, vector<128x256xf32>
    %dot_general3A = arith.constant dense<0.000000e+00> : vector<1024x256xf32>
    %dot_general3A_8 = tpu.matmul %get3A_4, %get3A_7, %dot_general3A {dimension_numbers = #tpu.dot_dimension_numbers<[1], [0], [0], [1], [0, 0, 1, 1], [], []>, transpose_lhs_hint = false} : vector<1024x128xf32>, vector<128x256xf32>, vector<1024x256xf32> -> vector<1024x256xf32>
    %get3A_9 = arith.constant 0 : index
    %get3A_10 = arith.constant 0 : index
    %get3A_11 = arith.constant 0 : index
    %get3A_12 = arith.constant 0 : index
    %get3A_13 = vector.load %arg3[%get3A_9, %get3A_10, %get3A_11, %get3A_12] : memref<1x1x1024x8xf32, #tpu.memory_space<vmem>>, vector<1x1x1024x8xf32>
    %get3A_14 = vector.shape_cast %get3A_13 : vector<1x1x1024x8xf32> to vector<1024x8xf32>
    %get3A_15 = arith.constant 0 : index
    %get3A_16 = arith.constant 0 : index
    %get3A_17 = vector.load %arg5[%get3A_15, %get3A_16] : memref<8x256xf32, #tpu.memory_space<vmem>>, vector<8x256xf32>
    %dot_general3A_18 = arith.constant dense<0.000000e+00> : vector<1024x256xf32>
    %dot_general3A_19 = tpu.matmul %get3A_14, %get3A_17, %dot_general3A_18 {dimension_numbers = #tpu.dot_dimension_numbers<[1], [0], [0], [1], [0, 0, 1, 1], [], []>, transpose_lhs_hint = false} : vector<1024x8xf32>, vector<8x256xf32>, vector<1024x256xf32> -> vector<1024x256xf32>
    %add3A = arith.addf %dot_general3A_8, %dot_general3A_19 : vector<1024x256xf32>
    %get3A_20 = arith.constant 0 : index
    %get3A_21 = arith.constant 0 : index
    %get3A_22 = vector.load %arg7[%get3A_20, %get3A_21] : memref<8x256xf32, #tpu.memory_space<vmem>>, vector<1x256xf32>
    %add3A_23 = vector.broadcast %get3A_22 : vector<1x256xf32> to vector<1024x256xf32>
    %add3A_24 = arith.addf %add3A, %add3A_23 : vector<1024x256xf32>
    %get3A_25 = arith.constant 0 : index
    %get3A_26 = arith.constant 0 : index
    %get3A_27 = vector.load %arg6[%get3A_25, %get3A_26] : memref<8x256xf32, #tpu.memory_space<vmem>>, vector<1x256xf32>
    %mul3A = vector.broadcast %convert_element_type3A : f32 to vector<1x256xf32>
    %mul3A_28 = arith.mulf %mul3A, %get3A_27 : vector<1x256xf32>
    %add3A_29 = vector.broadcast %mul3A_28 : vector<1x256xf32> to vector<1024x256xf32>
    %add3A_30 = arith.addf %add3A_24, %add3A_29 : vector<1024x256xf32>
    %slice3A = vector.extract_strided_slice %add3A_30 {offsets = [0, 0], sizes = [1024, 128], strides = [1, 1]} : vector<1024x256xf32> to vector<1024x128xf32>
    %swap3A = arith.constant 0 : index
    %swap3A_31 = arith.constant 0 : index
    %swap3A_32 = vector.load %arg8[%swap3A, %swap3A_31] : memref<1024x128xf32, #tpu.memory_space<vmem>>, vector<1024x128xf32>
    tpu.vector_store %arg8[%swap3A, %swap3A_31], %slice3A {strides = array<i32>} : memref<1024x128xf32, #tpu.memory_space<vmem>>, vector<1024x128xf32>,
    %slice3A_33 = vector.extract_strided_slice %add3A_30 {offsets = [0, 128], sizes = [1024, 128], strides = [1, 1]} : vector<1024x256xf32> to vector<1024x128xf32>
    %swap3A_34 = arith.constant 0 : index
    %swap3A_35 = arith.constant 0 : index
    %swap3A_36 = vector.load %arg9[%swap3A_34, %swap3A_35] : memref<1024x128xf32, #tpu.memory_space<vmem>>, vector<1024x128xf32>
    tpu.vector_store %arg9[%swap3A_34, %swap3A_35], %slice3A_33 {strides = array<i32>} : memref<1024x128xf32, #tpu.memory_space<vmem>>, vector<1024x128xf32>,
    return
  }
  func.func @transform_0(%arg0: i32, %arg1: i32) -> (i32, i32, i32, i32) {
    %c0_i32 = arith.constant 0 : i32
    %c0_i32_0 = arith.constant 0 : i32
    %c0_i32_1 = arith.constant 0 : i32
    return %arg1, %arg0, %c0_i32, %c0_i32_0 : i32, i32, i32, i32
  }
  func.func @transform_1(%arg0: i32, %arg1: i32) -> (i32, i32, i32, i32) {
    %c0_i32 = arith.constant 0 : i32
    %c0_i32_0 = arith.constant 0 : i32
    %c0_i32_1 = arith.constant 0 : i32
    return %arg0, %arg1, %c0_i32, %c0_i32_0 : i32, i32, i32, i32
  }
  func.func @transform_2(%arg0: i32, %arg1: i32) -> (i32, i32) {
    %c0_i32 = arith.constant 0 : i32
    %c0_i32_0 = arith.constant 0 : i32
    %c0_i32_1 = arith.constant 0 : i32
    return %c0_i32, %c0_i32_0 : i32, i32
  }
  func.func @transform_3(%arg0: i32, %arg1: i32) -> (i32, i32) {
    %c0_i32 = arith.constant 0 : i32
    %c0_i32_0 = arith.constant 0 : i32
    %c0_i32_1 = arith.constant 0 : i32
    return %c0_i32, %c0_i32_0 : i32, i32
  }
  func.func @transform_4(%arg0: i32, %arg1: i32) -> (i32, i32) {
    %c0_i32 = arith.constant 0 : i32
    %c0_i32_0 = arith.constant 0 : i32
    %c0_i32_1 = arith.constant 0 : i32
    return %c0_i32, %c0_i32_0 : i32, i32
  }
  func.func @transform_5(%arg0: i32, %arg1: i32) -> (i32, i32) {
    %c0_i32 = arith.constant 0 : i32
    %c0_i32_0 = arith.constant 0 : i32
    %c0_i32_1 = arith.constant 0 : i32
    return %c0_i32, %c0_i32_0 : i32, i32
  }
  func.func @transform_6(%arg0: i32, %arg1: i32) -> (i32, i32) {
    %mul3A = arith.constant 2 : i32
    %mul3A_0 = arith.muli %arg0, %mul3A : i32
    %add3A = arith.addi %mul3A_0, %arg1 : i32
    %c0_i32 = arith.constant 0 : i32
    %c0_i32_1 = arith.constant 0 : i32
    return %add3A, %c0_i32 : i32, i32
  }
  func.func @transform_7(%arg0: i32, %arg1: i32) -> (i32, i32) {
    %mul3A = arith.constant 2 : i32
    %mul3A_0 = arith.muli %arg0, %mul3A : i32
    %add3A = arith.addi %mul3A_0, %arg1 : i32
    %c0_i32 = arith.constant 0 : i32
    %c0_i32_1 = arith.constant 0 : i32
    return %add3A, %c0_i32 : i32, i32
  }
}

module attributes {stable_mosaic.version = 14 : i64} {
  func.func @body(%arg0: i32, %arg1: i32, %arg2: i32, %arg3: memref<1x1x1024x8xf32, #tpu.memory_space<vmem>>, %arg4: memref<1x1x8x1024xf32, #tpu.memory_space<vmem>>, %arg5: memref<1x1x8x1024xf32, #tpu.memory_space<vmem>>, %arg6: memref<1x1x1024x8xi32, #tpu.memory_space<vmem>>) attributes {dimension_semantics = [#tpu.dimension_semantics<arbitrary>, #tpu.dimension_semantics<arbitrary>, #tpu.dimension_semantics<arbitrary>], iteration_bounds = array<i64: 2, 2, 1>, scalar_prefetch = 0 : i64, scratch_operands = 0 : i64, tpu.core_type = #tpu.core_type<tc>, window_params = [{transform_indices = @transform_0, window_bounds = array<i64: 1, 1, 1024, 8>}, {transform_indices = @transform_1, window_bounds = array<i64: 1, 1, 8, 1024>}, {transform_indices = @transform_2, window_bounds = array<i64: 1, 1, 8, 1024>}, {transform_indices = @transform_3, window_bounds = array<i64: 1, 1, 1024, 8>}]} {
    %get3A = arith.constant 0 : index
    %get3A_0 = arith.constant 0 : index
    %get3A_1 = arith.constant 0 : index
    %get3A_2 = arith.constant 0 : index
    %get3A_3 = vector.load %arg3[%get3A, %get3A_0, %get3A_1, %get3A_2] : memref<1x1x1024x8xf32, #tpu.memory_space<vmem>>, vector<1x1x1024x8xf32>
    %get3A_4 = vector.shape_cast %get3A_3 : vector<1x1x1024x8xf32> to vector<1024x8xf32>
    %mul3A = arith.mulf %get3A_4, %get3A_4 : vector<1024x8xf32>
    %reduce_sum3A = arith.constant dense<0.000000e+00> : vector<1024xf32>
    %reduce_sum3A_5 = vector.multi_reduction <add>, %mul3A, %reduce_sum3A [1] : vector<1024x8xf32> to vector<1024xf32>
    %mul3A_6 = arith.constant 2.500000e-01 : f32
    %mul3A_7 = vector.broadcast %mul3A_6 : f32 to vector<1024xf32>
    %mul3A_8 = arith.mulf %mul3A_7, %reduce_sum3A_5 : vector<1024xf32>
    %get3A_9 = arith.constant 0 : index
    %get3A_10 = arith.constant 0 : index
    %get3A_11 = arith.constant 0 : index
    %get3A_12 = arith.constant 0 : index
    %get3A_13 = vector.load %arg4[%get3A_9, %get3A_10, %get3A_11, %get3A_12] : memref<1x1x8x1024xf32, #tpu.memory_space<vmem>>, vector<1x1x8x1024xf32>
    %get3A_14 = vector.shape_cast %get3A_13 : vector<1x1x8x1024xf32> to vector<8x1024xf32>
    %mul3A_15 = arith.mulf %get3A_14, %get3A_14 : vector<8x1024xf32>
    %reduce_sum3A_16 = arith.constant dense<0.000000e+00> : vector<1024xf32>
    %reduce_sum3A_17 = vector.multi_reduction <add>, %mul3A_15, %reduce_sum3A_16 [0] : vector<8x1024xf32> to vector<1024xf32>
    %dot_general3A = arith.constant dense<0.000000e+00> : vector<1024x1024xf32>
    %dot_general3A_18 = tpu.matmul %get3A_4, %get3A_14, %dot_general3A {dimension_numbers = #tpu.dot_dimension_numbers<[1], [0], [0], [1], [0, 0, 1, 1], [], []>, transpose_lhs_hint = false} : vector<1024x8xf32>, vector<8x1024xf32>, vector<1024x1024xf32> -> vector<1024x1024xf32>
    %broadcast_in_dim3A = vector.shape_cast %mul3A_8 : vector<1024xf32> to vector<1024x1xf32>
    %broadcast_in_dim3A_19 = vector.shape_cast %reduce_sum3A_17 : vector<1024xf32> to vector<1x1024xf32>
    %add3A = vector.broadcast %broadcast_in_dim3A : vector<1024x1xf32> to vector<1024x1024xf32>
    %add3A_20 = vector.broadcast %broadcast_in_dim3A_19 : vector<1x1024xf32> to vector<1024x1024xf32>
    %add3A_21 = arith.addf %add3A, %add3A_20 : vector<1024x1024xf32>
    %add3A_22 = arith.addf %add3A_21, %dot_general3A_18 : vector<1024x1024xf32>
    %get3A_23 = arith.constant 0 : index
    %get3A_24 = arith.constant 0 : index
    %get3A_25 = arith.constant 0 : index
    %get3A_26 = arith.constant 0 : index
    %get3A_27 = vector.load %arg5[%get3A_23, %get3A_24, %get3A_25, %get3A_26] : memref<1x1x8x1024xf32, #tpu.memory_space<vmem>>, vector<1x1x8x1024xf32>
    %get3A_28 = vector.shape_cast %get3A_27 : vector<1x1x8x1024xf32> to vector<8x1024xf32>
    %mul3A_29 = arith.mulf %get3A_28, %get3A_28 : vector<8x1024xf32>
    %reduce_sum3A_30 = arith.constant dense<0.000000e+00> : vector<1024xf32>
    %reduce_sum3A_31 = vector.multi_reduction <add>, %mul3A_29, %reduce_sum3A_30 [0] : vector<8x1024xf32> to vector<1024xf32>
    %dot_general3A_32 = arith.constant dense<0.000000e+00> : vector<1024x1024xf32>
    %dot_general3A_33 = tpu.matmul %get3A_4, %get3A_28, %dot_general3A_32 {dimension_numbers = #tpu.dot_dimension_numbers<[1], [0], [0], [1], [0, 0, 1, 1], [], []>, transpose_lhs_hint = false} : vector<1024x8xf32>, vector<8x1024xf32>, vector<1024x1024xf32> -> vector<1024x1024xf32>
    %broadcast_in_dim3A_34 = vector.shape_cast %mul3A_8 : vector<1024xf32> to vector<1024x1xf32>
    %broadcast_in_dim3A_35 = vector.shape_cast %reduce_sum3A_31 : vector<1024xf32> to vector<1x1024xf32>
    %add3A_36 = vector.broadcast %broadcast_in_dim3A_34 : vector<1024x1xf32> to vector<1024x1024xf32>
    %add3A_37 = vector.broadcast %broadcast_in_dim3A_35 : vector<1x1024xf32> to vector<1024x1024xf32>
    %add3A_38 = arith.addf %add3A_36, %add3A_37 : vector<1024x1024xf32>
    %add3A_39 = arith.addf %add3A_38, %dot_general3A_33 : vector<1024x1024xf32>
    %concatenate3A = tpu.concatenate %add3A_22, %add3A_39 in 1 : vector<1024x1024xf32>, vector<1024x1024xf32> -> vector<1024x2048xf32>
    %iota3A = tpu.iota {dimensions = array<i32: 1>} : vector<1024x2048xi32>
    %max3A = arith.constant 9.99999993E-9 : f32
    %max3A_40 = vector.broadcast %max3A : f32 to vector<1024x2048xf32>
    %max3A_41 = arith.maximumf %concatenate3A, %max3A_40 : vector<1024x2048xf32>
    %bitcast_convert_type3A = tpu.bitcast %max3A_41 : vector<1024x2048xf32> -> vector<1024x2048xi32>
    %sub3A = arith.constant 841731191 : i32
    %sub3A_42 = vector.broadcast %sub3A : i32 to vector<1024x2048xi32>
    %sub3A_43 = arith.subi %bitcast_convert_type3A, %sub3A_42 : vector<1024x2048xi32>
    %shift_left3A = arith.constant 2 : i32
    %shift_left3A_44 = vector.broadcast %shift_left3A : i32 to vector<1024x2048xi32>
    %shift_left3A_45 = arith.shli %sub3A_43, %shift_left3A_44 : vector<1024x2048xi32>
    %and3A = arith.constant -4096 : i32
    %and3A_46 = vector.broadcast %and3A : i32 to vector<1024x2048xi32>
    %and3A_47 = arith.andi %shift_left3A_45, %and3A_46 : vector<1024x2048xi32>
    %or3A = arith.ori %and3A_47, %iota3A : vector<1024x2048xi32>
    %reduce_min3A = arith.constant dense<2147483647> : vector<1024xi32>
    %reduce_min3A_48 = vector.multi_reduction <minsi>, %or3A, %reduce_min3A [1] : vector<1024x2048xi32> to vector<1024xi32>
    %broadcast_in_dim3A_49 = vector.shape_cast %reduce_min3A_48 : vector<1024xi32> to vector<1024x1xi32>
    %squeeze3A = vector.shape_cast %broadcast_in_dim3A_49 : vector<1024x1xi32> to vector<1024xi32>
    %and3A_50 = arith.constant 4095 : i32
    %and3A_51 = vector.broadcast %and3A_50 : i32 to vector<1024xi32>
    %and3A_52 = arith.andi %squeeze3A, %and3A_51 : vector<1024xi32>
    %eq3A = vector.broadcast %broadcast_in_dim3A_49 : vector<1024x1xi32> to vector<1024x2048xi32>
    %eq3A_53 = arith.cmpi eq, %or3A, %eq3A : vector<1024x2048xi32>
    %jit3A = arith.constant 2147483647 : i32
    %broadcast_in_dim3A_54 = vector.broadcast %jit3A : i32 to vector<1024x2048xi32>
    %select_n3A = arith.select %eq3A_53, %broadcast_in_dim3A_54, %or3A : vector<1024x2048xi1>, vector<1024x2048xi32>
    %reduce_min3A_55 = arith.constant dense<2147483647> : vector<1024xi32>
    %reduce_min3A_56 = vector.multi_reduction <minsi>, %select_n3A, %reduce_min3A_55 [1] : vector<1024x2048xi32> to vector<1024xi32>
    %broadcast_in_dim3A_57 = vector.shape_cast %reduce_min3A_56 : vector<1024xi32> to vector<1024x1xi32>
    %squeeze3A_58 = vector.shape_cast %broadcast_in_dim3A_57 : vector<1024x1xi32> to vector<1024xi32>
    %and3A_59 = arith.constant 4095 : i32
    %and3A_60 = vector.broadcast %and3A_59 : i32 to vector<1024xi32>
    %and3A_61 = arith.andi %squeeze3A_58, %and3A_60 : vector<1024xi32>
    %eq3A_62 = vector.broadcast %broadcast_in_dim3A_57 : vector<1024x1xi32> to vector<1024x2048xi32>
    %eq3A_63 = arith.cmpi eq, %select_n3A, %eq3A_62 : vector<1024x2048xi32>
    %jit3A_64 = arith.constant 2147483647 : i32
    %broadcast_in_dim3A_65 = vector.broadcast %jit3A_64 : i32 to vector<1024x2048xi32>
    %select_n3A_66 = arith.select %eq3A_63, %broadcast_in_dim3A_65, %select_n3A : vector<1024x2048xi1>, vector<1024x2048xi32>
    %reduce_min3A_67 = arith.constant dense<2147483647> : vector<1024xi32>
    %reduce_min3A_68 = vector.multi_reduction <minsi>, %select_n3A_66, %reduce_min3A_67 [1] : vector<1024x2048xi32> to vector<1024xi32>
    %broadcast_in_dim3A_69 = vector.shape_cast %reduce_min3A_68 : vector<1024xi32> to vector<1024x1xi32>
    %squeeze3A_70 = vector.shape_cast %broadcast_in_dim3A_69 : vector<1024x1xi32> to vector<1024xi32>
    %and3A_71 = arith.constant 4095 : i32
    %and3A_72 = vector.broadcast %and3A_71 : i32 to vector<1024xi32>
    %and3A_73 = arith.andi %squeeze3A_70, %and3A_72 : vector<1024xi32>
    %eq3A_74 = vector.broadcast %broadcast_in_dim3A_69 : vector<1024x1xi32> to vector<1024x2048xi32>
    %eq3A_75 = arith.cmpi eq, %select_n3A_66, %eq3A_74 : vector<1024x2048xi32>
    %jit3A_76 = arith.constant 2147483647 : i32
    %broadcast_in_dim3A_77 = vector.broadcast %jit3A_76 : i32 to vector<1024x2048xi32>
    %select_n3A_78 = arith.select %eq3A_75, %broadcast_in_dim3A_77, %select_n3A_66 : vector<1024x2048xi1>, vector<1024x2048xi32>
    %reduce_min3A_79 = arith.constant dense<2147483647> : vector<1024xi32>
    %reduce_min3A_80 = vector.multi_reduction <minsi>, %select_n3A_78, %reduce_min3A_79 [1] : vector<1024x2048xi32> to vector<1024xi32>
    %broadcast_in_dim3A_81 = vector.shape_cast %reduce_min3A_80 : vector<1024xi32> to vector<1024x1xi32>
    %squeeze3A_82 = vector.shape_cast %broadcast_in_dim3A_81 : vector<1024x1xi32> to vector<1024xi32>
    %and3A_83 = arith.constant 4095 : i32
    %and3A_84 = vector.broadcast %and3A_83 : i32 to vector<1024xi32>
    %and3A_85 = arith.andi %squeeze3A_82, %and3A_84 : vector<1024xi32>
    %eq3A_86 = vector.broadcast %broadcast_in_dim3A_81 : vector<1024x1xi32> to vector<1024x2048xi32>
    %eq3A_87 = arith.cmpi eq, %select_n3A_78, %eq3A_86 : vector<1024x2048xi32>
    %jit3A_88 = arith.constant 2147483647 : i32
    %broadcast_in_dim3A_89 = vector.broadcast %jit3A_88 : i32 to vector<1024x2048xi32>
    %select_n3A_90 = arith.select %eq3A_87, %broadcast_in_dim3A_89, %select_n3A_78 : vector<1024x2048xi1>, vector<1024x2048xi32>
    %reduce_min3A_91 = arith.constant dense<2147483647> : vector<1024xi32>
    %reduce_min3A_92 = vector.multi_reduction <minsi>, %select_n3A_90, %reduce_min3A_91 [1] : vector<1024x2048xi32> to vector<1024xi32>
    %broadcast_in_dim3A_93 = vector.shape_cast %reduce_min3A_92 : vector<1024xi32> to vector<1024x1xi32>
    %squeeze3A_94 = vector.shape_cast %broadcast_in_dim3A_93 : vector<1024x1xi32> to vector<1024xi32>
    %and3A_95 = arith.constant 4095 : i32
    %and3A_96 = vector.broadcast %and3A_95 : i32 to vector<1024xi32>
    %and3A_97 = arith.andi %squeeze3A_94, %and3A_96 : vector<1024xi32>
    %eq3A_98 = vector.broadcast %broadcast_in_dim3A_93 : vector<1024x1xi32> to vector<1024x2048xi32>
    %eq3A_99 = arith.cmpi eq, %select_n3A_90, %eq3A_98 : vector<1024x2048xi32>
    %jit3A_100 = arith.constant 2147483647 : i32
    %broadcast_in_dim3A_101 = vector.broadcast %jit3A_100 : i32 to vector<1024x2048xi32>
    %select_n3A_102 = arith.select %eq3A_99, %broadcast_in_dim3A_101, %select_n3A_90 : vector<1024x2048xi1>, vector<1024x2048xi32>
    %reduce_min3A_103 = arith.constant dense<2147483647> : vector<1024xi32>
    %reduce_min3A_104 = vector.multi_reduction <minsi>, %select_n3A_102, %reduce_min3A_103 [1] : vector<1024x2048xi32> to vector<1024xi32>
    %broadcast_in_dim3A_105 = vector.shape_cast %reduce_min3A_104 : vector<1024xi32> to vector<1024x1xi32>
    %squeeze3A_106 = vector.shape_cast %broadcast_in_dim3A_105 : vector<1024x1xi32> to vector<1024xi32>
    %and3A_107 = arith.constant 4095 : i32
    %and3A_108 = vector.broadcast %and3A_107 : i32 to vector<1024xi32>
    %and3A_109 = arith.andi %squeeze3A_106, %and3A_108 : vector<1024xi32>
    %eq3A_110 = vector.broadcast %broadcast_in_dim3A_105 : vector<1024x1xi32> to vector<1024x2048xi32>
    %eq3A_111 = arith.cmpi eq, %select_n3A_102, %eq3A_110 : vector<1024x2048xi32>
    %jit3A_112 = arith.constant 2147483647 : i32
    %broadcast_in_dim3A_113 = vector.broadcast %jit3A_112 : i32 to vector<1024x2048xi32>
    %select_n3A_114 = arith.select %eq3A_111, %broadcast_in_dim3A_113, %select_n3A_102 : vector<1024x2048xi1>, vector<1024x2048xi32>
    %reduce_min3A_115 = arith.constant dense<2147483647> : vector<1024xi32>
    %reduce_min3A_116 = vector.multi_reduction <minsi>, %select_n3A_114, %reduce_min3A_115 [1] : vector<1024x2048xi32> to vector<1024xi32>
    %broadcast_in_dim3A_117 = vector.shape_cast %reduce_min3A_116 : vector<1024xi32> to vector<1024x1xi32>
    %squeeze3A_118 = vector.shape_cast %broadcast_in_dim3A_117 : vector<1024x1xi32> to vector<1024xi32>
    %and3A_119 = arith.constant 4095 : i32
    %and3A_120 = vector.broadcast %and3A_119 : i32 to vector<1024xi32>
    %and3A_121 = arith.andi %squeeze3A_118, %and3A_120 : vector<1024xi32>
    %eq3A_122 = vector.broadcast %broadcast_in_dim3A_117 : vector<1024x1xi32> to vector<1024x2048xi32>
    %eq3A_123 = arith.cmpi eq, %select_n3A_114, %eq3A_122 : vector<1024x2048xi32>
    %jit3A_124 = arith.constant 2147483647 : i32
    %broadcast_in_dim3A_125 = vector.broadcast %jit3A_124 : i32 to vector<1024x2048xi32>
    %select_n3A_126 = arith.select %eq3A_123, %broadcast_in_dim3A_125, %select_n3A_114 : vector<1024x2048xi1>, vector<1024x2048xi32>
    %reduce_min3A_127 = arith.constant dense<2147483647> : vector<1024xi32>
    %reduce_min3A_128 = vector.multi_reduction <minsi>, %select_n3A_126, %reduce_min3A_127 [1] : vector<1024x2048xi32> to vector<1024xi32>
    %broadcast_in_dim3A_129 = vector.shape_cast %reduce_min3A_128 : vector<1024xi32> to vector<1024x1xi32>
    %squeeze3A_130 = vector.shape_cast %broadcast_in_dim3A_129 : vector<1024x1xi32> to vector<1024xi32>
    %and3A_131 = arith.constant 4095 : i32
    %and3A_132 = vector.broadcast %and3A_131 : i32 to vector<1024xi32>
    %and3A_133 = arith.andi %squeeze3A_130, %and3A_132 : vector<1024xi32>
    %stack3A = vector.shape_cast %and3A_52 : vector<1024xi32> to vector<1024x1xi32>
    %stack3A_134 = vector.shape_cast %and3A_61 : vector<1024xi32> to vector<1024x1xi32>
    %stack3A_135 = vector.shape_cast %and3A_73 : vector<1024xi32> to vector<1024x1xi32>
    %stack3A_136 = vector.shape_cast %and3A_85 : vector<1024xi32> to vector<1024x1xi32>
    %stack3A_137 = vector.shape_cast %and3A_97 : vector<1024xi32> to vector<1024x1xi32>
    %stack3A_138 = vector.shape_cast %and3A_109 : vector<1024xi32> to vector<1024x1xi32>
    %stack3A_139 = vector.shape_cast %and3A_121 : vector<1024xi32> to vector<1024x1xi32>
    %stack3A_140 = vector.shape_cast %and3A_133 : vector<1024xi32> to vector<1024x1xi32>
    %stack3A_141 = tpu.concatenate %stack3A, %stack3A_134, %stack3A_135, %stack3A_136, %stack3A_137, %stack3A_138, %stack3A_139, %stack3A_140 in 1 : vector<1024x1xi32>, vector<1024x1xi32>, vector<1024x1xi32>, vector<1024x1xi32>, vector<1024x1xi32>, vector<1024x1xi32>, vector<1024x1xi32>, vector<1024x1xi32> -> vector<1024x8xi32>
    %mul3A_142 = arith.constant 2 : i32
    %mul3A_143 = arith.muli %mul3A_142, %arg0 : i32
    %add3A_144 = arith.constant 0 : i32
    %add3A_145 = arith.addi %add3A_144, %mul3A_143 : i32
    %and3A_146 = arith.constant -1024 : i32
    %and3A_147 = vector.broadcast %and3A_146 : i32 to vector<1024x8xi32>
    %and3A_148 = arith.andi %stack3A_141, %and3A_147 : vector<1024x8xi32>
    %mul3A_149 = arith.constant 1 : i32
    %mul3A_150 = vector.broadcast %mul3A_149 : i32 to vector<1024x8xi32>
    %mul3A_151 = arith.muli %and3A_148, %mul3A_150 : vector<1024x8xi32>
    %add3A_152 = arith.addi %stack3A_141, %mul3A_151 : vector<1024x8xi32>
    %mul3A_153 = arith.constant 2 : i32
    %mul3A_154 = arith.muli %add3A_145, %mul3A_153 : i32
    %add3A_155 = arith.addi %mul3A_154, %arg1 : i32
    %mul3A_156 = arith.constant 1024 : i32
    %mul3A_157 = arith.muli %add3A_155, %mul3A_156 : i32
    %add3A_158 = vector.broadcast %mul3A_157 : i32 to vector<1024x8xi32>
    %add3A_159 = arith.addi %add3A_152, %add3A_158 : vector<1024x8xi32>
    %swap3A = arith.constant 0 : index
    %swap3A_160 = arith.constant 0 : index
    %swap3A_161 = arith.constant 0 : index
    %swap3A_162 = arith.constant 0 : index
    %swap3A_163 = vector.load %arg6[%swap3A, %swap3A_160, %swap3A_161, %swap3A_162] : memref<1x1x1024x8xi32, #tpu.memory_space<vmem>>, vector<1x1x1024x8xi32>
    %swap3A_164 = vector.shape_cast %swap3A_163 : vector<1x1x1024x8xi32> to vector<1024x8xi32>
    %swap3A_165 = vector.shape_cast %add3A_159 : vector<1024x8xi32> to vector<1x1x1024x8xi32>
    tpu.vector_store %arg6[%swap3A, %swap3A_160, %swap3A_161, %swap3A_162], %swap3A_165 {strides = array<i32>} : memref<1x1x1024x8xi32, #tpu.memory_space<vmem>>, vector<1x1x1024x8xi32>,
    return
  }
  func.func @transform_0(%arg0: i32, %arg1: i32, %arg2: i32) -> (i32, i32, i32, i32) {
    %mul3A = arith.constant 3 : i32
    %mul3A_0 = arith.muli %mul3A, %arg0 : i32
    %add3A = arith.constant 0 : i32
    %add3A_1 = arith.addi %add3A, %mul3A_0 : i32
    %c0_i32 = arith.constant 0 : i32
    %c0_i32_2 = arith.constant 0 : i32
    return %add3A_1, %arg1, %arg2, %c0_i32 : i32, i32, i32, i32
  }
  func.func @transform_1(%arg0: i32, %arg1: i32, %arg2: i32) -> (i32, i32, i32, i32) {
    %mul3A = arith.constant 2 : i32
    %mul3A_0 = arith.muli %mul3A, %arg0 : i32
    %add3A = arith.constant 0 : i32
    %add3A_1 = arith.addi %add3A, %mul3A_0 : i32
    %add3A_2 = arith.constant 0 : i32
    %add3A_3 = arith.addi %add3A_1, %add3A_2 : i32
    %c0_i32 = arith.constant 0 : i32
    %c0_i32_4 = arith.constant 0 : i32
    %c0_i32_5 = arith.constant 0 : i32
    return %add3A_3, %arg1, %c0_i32, %c0_i32_4 : i32, i32, i32, i32
  }
  func.func @transform_2(%arg0: i32, %arg1: i32, %arg2: i32) -> (i32, i32, i32, i32) {
    %mul3A = arith.constant 2 : i32
    %mul3A_0 = arith.muli %mul3A, %arg0 : i32
    %add3A = arith.constant 0 : i32
    %add3A_1 = arith.addi %add3A, %mul3A_0 : i32
    %add3A_2 = arith.constant 1 : i32
    %add3A_3 = arith.addi %add3A_1, %add3A_2 : i32
    %c0_i32 = arith.constant 0 : i32
    %c0_i32_4 = arith.constant 0 : i32
    %c0_i32_5 = arith.constant 0 : i32
    return %add3A_3, %arg1, %c0_i32, %c0_i32_4 : i32, i32, i32, i32
  }
  func.func @transform_3(%arg0: i32, %arg1: i32, %arg2: i32) -> (i32, i32, i32, i32) {
    %c0_i32 = arith.constant 0 : i32
    %c0_i32_0 = arith.constant 0 : i32
    return %arg0, %arg1, %arg2, %c0_i32 : i32, i32, i32, i32
  }
}

module attributes {stable_mosaic.version = 14 : i64} {
  func.func @body(%arg0: i32, %arg1: i32, %arg2: memref<8192x128xf32, #tpu.memory_space<vmem>>, %arg3: memref<1024x128xf32, #tpu.memory_space<vmem>>, %arg4: memref<128x128xf32, #tpu.memory_space<vmem>>, %arg5: memref<8x128xf32, #tpu.memory_space<vmem>>, %arg6: memref<1024x128xf32, #tpu.memory_space<vmem>>) attributes {dimension_semantics = [#tpu.dimension_semantics<arbitrary>, #tpu.dimension_semantics<arbitrary>], iteration_bounds = array<i64: 2, 2>, scalar_prefetch = 0 : i64, scratch_operands = 0 : i64, tpu.core_type = #tpu.core_type<tc>, window_params = [{transform_indices = @transform_0, window_bounds = array<i64: 8192, 128>}, {transform_indices = @transform_1, window_bounds = array<i64: 1024, 128>}, {pipeline_mode = #tpu.pipeline_mode<synchronous>, transform_indices = @transform_2, window_bounds = array<i64: 128, 128>}, {pipeline_mode = #tpu.pipeline_mode<synchronous>, transform_indices = @transform_3, window_bounds = array<i64: 8, 128>}, {transform_indices = @transform_4, window_bounds = array<i64: 1024, 128>}]} {
    %get3A = arith.constant 0 : index
    %get3A_0 = arith.constant 0 : index
    %get3A_1 = vector.load %arg3[%get3A, %get3A_0] : memref<1024x128xf32, #tpu.memory_space<vmem>>, vector<1024x128xf32>
    %get3A_2 = arith.constant 0 : index
    %get3A_3 = arith.constant 0 : index
    %get3A_4 = vector.load %arg2[%get3A_2, %get3A_3] : memref<8192x128xf32, #tpu.memory_space<vmem>>, vector<8192x128xf32>
    %reshape3A = vector.shape_cast %get3A_4 : vector<8192x128xf32> to vector<1024x8x128xf32>
    %broadcast_in_dim3A = vector.shape_cast %get3A_1 : vector<1024x128xf32> to vector<1024x1x128xf32>
    %add3A = vector.broadcast %broadcast_in_dim3A : vector<1024x1x128xf32> to vector<1024x8x128xf32>
    %add3A_5 = arith.addf %reshape3A, %add3A : vector<1024x8x128xf32>
    %max3A = arith.constant 0.000000e+00 : f32
    %max3A_6 = vector.broadcast %max3A : f32 to vector<1024x8x128xf32>
    %max3A_7 = arith.maximumf %add3A_5, %max3A_6 : vector<1024x8x128xf32>
    %reshape3A_8 = vector.shape_cast %max3A_7 : vector<1024x8x128xf32> to vector<8192x128xf32>
    %get3A_9 = arith.constant 0 : index
    %get3A_10 = arith.constant 0 : index
    %get3A_11 = vector.load %arg4[%get3A_9, %get3A_10] : memref<128x128xf32, #tpu.memory_space<vmem>>, vector<128x128xf32>
    %dot_general3A = arith.constant dense<0.000000e+00> : vector<8192x128xf32>
    %dot_general3A_12 = tpu.matmul %reshape3A_8, %get3A_11, %dot_general3A {dimension_numbers = #tpu.dot_dimension_numbers<[1], [0], [0], [1], [0, 0, 1, 1], [], []>, transpose_lhs_hint = false} : vector<8192x128xf32>, vector<128x128xf32>, vector<8192x128xf32> -> vector<8192x128xf32>
    %get3A_13 = arith.constant 0 : index
    %get3A_14 = arith.constant 0 : index
    %get3A_15 = vector.load %arg5[%get3A_13, %get3A_14] : memref<8x128xf32, #tpu.memory_space<vmem>>, vector<1x128xf32>
    %add3A_16 = vector.broadcast %get3A_15 : vector<1x128xf32> to vector<8192x128xf32>
    %add3A_17 = arith.addf %dot_general3A_12, %add3A_16 : vector<8192x128xf32>
    %max3A_18 = arith.constant 0.000000e+00 : f32
    %max3A_19 = vector.broadcast %max3A_18 : f32 to vector<8192x128xf32>
    %max3A_20 = arith.maximumf %add3A_17, %max3A_19 : vector<8192x128xf32>
    %reshape3A_21 = vector.shape_cast %max3A_20 : vector<8192x128xf32> to vector<1024x8x128xf32>
    %reduce_max3A = arith.constant dense<0xFF800000> : vector<1024x128xf32>
    %reduce_max3A_22 = vector.multi_reduction <maximumf>, %reshape3A_21, %reduce_max3A [1] : vector<1024x8x128xf32> to vector<1024x128xf32>
    %swap3A = arith.constant 0 : index
    %swap3A_23 = arith.constant 0 : index
    %swap3A_24 = vector.load %arg6[%swap3A, %swap3A_23] : memref<1024x128xf32, #tpu.memory_space<vmem>>, vector<1024x128xf32>
    tpu.vector_store %arg6[%swap3A, %swap3A_23], %reduce_max3A_22 {strides = array<i32>} : memref<1024x128xf32, #tpu.memory_space<vmem>>, vector<1024x128xf32>,
    return
  }
  func.func @transform_0(%arg0: i32, %arg1: i32) -> (i32, i32) {
    %mul3A = arith.constant 2 : i32
    %mul3A_0 = arith.muli %arg0, %mul3A : i32
    %add3A = arith.addi %mul3A_0, %arg1 : i32
    %c0_i32 = arith.constant 0 : i32
    %c0_i32_1 = arith.constant 0 : i32
    return %add3A, %c0_i32 : i32, i32
  }
  func.func @transform_1(%arg0: i32, %arg1: i32) -> (i32, i32) {
    %mul3A = arith.constant 2 : i32
    %mul3A_0 = arith.muli %mul3A, %arg0 : i32
    %add3A = arith.constant 2 : i32
    %add3A_1 = arith.addi %add3A, %mul3A_0 : i32
    %add3A_2 = arith.addi %add3A_1, %arg1 : i32
    %c0_i32 = arith.constant 0 : i32
    %c0_i32_3 = arith.constant 0 : i32
    return %add3A_2, %c0_i32 : i32, i32
  }
  func.func @transform_2(%arg0: i32, %arg1: i32) -> (i32, i32) {
    %c0_i32 = arith.constant 0 : i32
    %c0_i32_0 = arith.constant 0 : i32
    %c0_i32_1 = arith.constant 0 : i32
    return %c0_i32, %c0_i32_0 : i32, i32
  }
  func.func @transform_3(%arg0: i32, %arg1: i32) -> (i32, i32) {
    %c0_i32 = arith.constant 0 : i32
    %c0_i32_0 = arith.constant 0 : i32
    %c0_i32_1 = arith.constant 0 : i32
    return %c0_i32, %c0_i32_0 : i32, i32
  }
  func.func @transform_4(%arg0: i32, %arg1: i32) -> (i32, i32) {
    %mul3A = arith.constant 2 : i32
    %mul3A_0 = arith.muli %arg0, %mul3A : i32
    %add3A = arith.addi %mul3A_0, %arg1 : i32
    %c0_i32 = arith.constant 0 : i32
    %c0_i32_1 = arith.constant 0 : i32
    return %add3A, %c0_i32 : i32, i32
  }
}

module attributes {stable_mosaic.version = 14 : i64} {
  func.func @body(%arg0: i32, %arg1: i32, %arg2: memref<8192x128xf32, #tpu.memory_space<vmem>>, %arg3: memref<1024x128xf32, #tpu.memory_space<vmem>>, %arg4: memref<128x128xf32, #tpu.memory_space<vmem>>, %arg5: memref<8x128xf32, #tpu.memory_space<vmem>>, %arg6: memref<1024x128xf32, #tpu.memory_space<vmem>>) attributes {dimension_semantics = [#tpu.dimension_semantics<arbitrary>, #tpu.dimension_semantics<arbitrary>], iteration_bounds = array<i64: 2, 2>, scalar_prefetch = 0 : i64, scratch_operands = 0 : i64, tpu.core_type = #tpu.core_type<tc>, window_params = [{transform_indices = @transform_0, window_bounds = array<i64: 8192, 128>}, {transform_indices = @transform_1, window_bounds = array<i64: 1024, 128>}, {pipeline_mode = #tpu.pipeline_mode<synchronous>, transform_indices = @transform_2, window_bounds = array<i64: 128, 128>}, {pipeline_mode = #tpu.pipeline_mode<synchronous>, transform_indices = @transform_3, window_bounds = array<i64: 8, 128>}, {transform_indices = @transform_4, window_bounds = array<i64: 1024, 128>}]} {
    %get3A = arith.constant 0 : index
    %get3A_0 = arith.constant 0 : index
    %get3A_1 = vector.load %arg3[%get3A, %get3A_0] : memref<1024x128xf32, #tpu.memory_space<vmem>>, vector<1024x128xf32>
    %get3A_2 = arith.constant 0 : index
    %get3A_3 = arith.constant 0 : index
    %get3A_4 = vector.load %arg2[%get3A_2, %get3A_3] : memref<8192x128xf32, #tpu.memory_space<vmem>>, vector<8192x128xf32>
    %reshape3A = vector.shape_cast %get3A_4 : vector<8192x128xf32> to vector<1024x8x128xf32>
    %broadcast_in_dim3A = vector.shape_cast %get3A_1 : vector<1024x128xf32> to vector<1024x1x128xf32>
    %add3A = vector.broadcast %broadcast_in_dim3A : vector<1024x1x128xf32> to vector<1024x8x128xf32>
    %add3A_5 = arith.addf %reshape3A, %add3A : vector<1024x8x128xf32>
    %max3A = arith.constant 0.000000e+00 : f32
    %max3A_6 = vector.broadcast %max3A : f32 to vector<1024x8x128xf32>
    %max3A_7 = arith.maximumf %add3A_5, %max3A_6 : vector<1024x8x128xf32>
    %reshape3A_8 = vector.shape_cast %max3A_7 : vector<1024x8x128xf32> to vector<8192x128xf32>
    %get3A_9 = arith.constant 0 : index
    %get3A_10 = arith.constant 0 : index
    %get3A_11 = vector.load %arg4[%get3A_9, %get3A_10] : memref<128x128xf32, #tpu.memory_space<vmem>>, vector<128x128xf32>
    %dot_general3A = arith.constant dense<0.000000e+00> : vector<8192x128xf32>
    %dot_general3A_12 = tpu.matmul %reshape3A_8, %get3A_11, %dot_general3A {dimension_numbers = #tpu.dot_dimension_numbers<[1], [0], [0], [1], [0, 0, 1, 1], [], []>, transpose_lhs_hint = false} : vector<8192x128xf32>, vector<128x128xf32>, vector<8192x128xf32> -> vector<8192x128xf32>
    %get3A_13 = arith.constant 0 : index
    %get3A_14 = arith.constant 0 : index
    %get3A_15 = vector.load %arg5[%get3A_13, %get3A_14] : memref<8x128xf32, #tpu.memory_space<vmem>>, vector<1x128xf32>
    %add3A_16 = vector.broadcast %get3A_15 : vector<1x128xf32> to vector<8192x128xf32>
    %add3A_17 = arith.addf %dot_general3A_12, %add3A_16 : vector<8192x128xf32>
    %max3A_18 = arith.constant 0.000000e+00 : f32
    %max3A_19 = vector.broadcast %max3A_18 : f32 to vector<8192x128xf32>
    %max3A_20 = arith.maximumf %add3A_17, %max3A_19 : vector<8192x128xf32>
    %reshape3A_21 = vector.shape_cast %max3A_20 : vector<8192x128xf32> to vector<1024x8x128xf32>
    %reduce_max3A = arith.constant dense<0xFF800000> : vector<1024x128xf32>
    %reduce_max3A_22 = vector.multi_reduction <maximumf>, %reshape3A_21, %reduce_max3A [1] : vector<1024x8x128xf32> to vector<1024x128xf32>
    %swap3A = arith.constant 0 : index
    %swap3A_23 = arith.constant 0 : index
    %swap3A_24 = vector.load %arg6[%swap3A, %swap3A_23] : memref<1024x128xf32, #tpu.memory_space<vmem>>, vector<1024x128xf32>
    tpu.vector_store %arg6[%swap3A, %swap3A_23], %reduce_max3A_22 {strides = array<i32>} : memref<1024x128xf32, #tpu.memory_space<vmem>>, vector<1024x128xf32>,
    return
  }
  func.func @transform_0(%arg0: i32, %arg1: i32) -> (i32, i32) {
    %mul3A = arith.constant 2 : i32
    %mul3A_0 = arith.muli %arg0, %mul3A : i32
    %add3A = arith.addi %mul3A_0, %arg1 : i32
    %c0_i32 = arith.constant 0 : i32
    %c0_i32_1 = arith.constant 0 : i32
    return %add3A, %c0_i32 : i32, i32
  }
  func.func @transform_1(%arg0: i32, %arg1: i32) -> (i32, i32) {
    %mul3A = arith.constant 6 : i32
    %mul3A_0 = arith.muli %mul3A, %arg0 : i32
    %add3A = arith.constant 0 : i32
    %add3A_1 = arith.addi %add3A, %mul3A_0 : i32
    %add3A_2 = arith.addi %add3A_1, %arg1 : i32
    %c0_i32 = arith.constant 0 : i32
    %c0_i32_3 = arith.constant 0 : i32
    return %add3A_2, %c0_i32 : i32, i32
  }
  func.func @transform_2(%arg0: i32, %arg1: i32) -> (i32, i32) {
    %c0_i32 = arith.constant 0 : i32
    %c0_i32_0 = arith.constant 0 : i32
    %c0_i32_1 = arith.constant 0 : i32
    return %c0_i32, %c0_i32_0 : i32, i32
  }
  func.func @transform_3(%arg0: i32, %arg1: i32) -> (i32, i32) {
    %c0_i32 = arith.constant 0 : i32
    %c0_i32_0 = arith.constant 0 : i32
    %c0_i32_1 = arith.constant 0 : i32
    return %c0_i32, %c0_i32_0 : i32, i32
  }
  func.func @transform_4(%arg0: i32, %arg1: i32) -> (i32, i32) {
    %mul3A = arith.constant 2 : i32
    %mul3A_0 = arith.muli %arg0, %mul3A : i32
    %add3A = arith.addi %mul3A_0, %arg1 : i32
    %c0_i32 = arith.constant 0 : i32
    %c0_i32_1 = arith.constant 0 : i32
    return %add3A, %c0_i32 : i32, i32
  }
}

</mosaic_0001>

<sc_bundles>
// kernel: kernel.12.cloned.1.call-start
scs
__scs_entry_jumppad:
0x0: {  	(pc) =	sbr.rel $0x88, $3  }
0x1: {  	(tag) =	ssettag $0x0;
	lr =	simm.s32 $0x1  }
0x2: {  	[smem:$0x3F9B] =	sst lr;
	_ =	strace $0xD0000000  }
0x3: {  	_ = 	snop  }
0x4: {  	_ = 	snop  }
0x5: {  	_ = 	snop  }
0x6: {  	_ = 	snop  }
0x7: {  	_ = 	snop  }
__scs_overlays_trampoline_lowered:
0x8: {  	[smem:$0x3FAA] =	sst s0  }
0x9: {  	[smem:$0x3FAB] =	sst s1  }
0xa: {  	[smem:$0x3FAC] =	sst s2  }
0xb: {  	[smem:$0x3FAD] =	sst s3  }
0xc: {  	[smem:$0x3FAE] =	sst s4  }
0xd: {  	[smem:$0x3FAF] =	sst s5  }
0xe: {  	[smem:$0x3FB0] =	sst s6  }
0xf: {  	[smem:$0x3FB1] =	sst s7  }
0x10: {  	[smem:$0x3FB2] =	sst s8  }
0x11: {  	[smem:$0x3FB3] =	sst s9;
	s0 =	simm.s32 @!p0 $0x0  }
0x12: {  	s1 =	sld [smem:$0x3F99];
	s0 =	simm.s32 @p0 $0x1  }
0x13: {  	[smem:$0x3FB4] =	sst s0;
	s0 =	simm.s32 @!p1 $0x0  }
0x14: {  	s2 =	sld [smem:$0x3F98];
	s0 =	simm.s32 @p1 $0x1  }
0x15: {  	[smem:$0x3FB5] =	sst s0;
	s0 =	simm.s32 @!p2 $0x0  }
0x16: {  	s3 =	sld [smem:$0x3FDB];
	s0 =	simm.s32 @p2 $0x1  }
0x17: {  	s4 =	simm.s32 $0x1BF5;
	[smem:$0x3FB7] =	sst s0  }
0x18: {  	s0 =	sld [smem:$0x3F9A];
	_ =	swait.ge [sflag:s4], $0x0  }
0x19: {  	s7 =	sld [smem:$0x3F9B]  }
0x1a: {  	s8 =	sadd.s32 $0xFFFFE003, lr  }
0x1b: {  	s9 =	sadd.s32 $0xFFFFFEF7, lr;
	s5 =	simm.s32 $0xFFFFFFFF;
	p2 =	slt.u32 s8, $0xFFFFF086  }
0x1c: {  	p1 =	slt.u32 s9, $0xF7A;
	s5 =	simm.s32 @!p2 $0x0  }
0x1d: {  	s5 =	simm.s32 @p1 $0x1;
	p0 =	seq.s32 s7, s2  }
0x1e: {  	s7 =	smul.u32 @!p0 $0xF7A, s2;
	p2 =	seq.s32 @!p0 s5, $0x0  }
0x1f: {  	s9 =	smul.u32 $0xF7A, s1;
	s8 =	simm.s32 @!p0 $0x1BF5;
	p2 =	por !p2, p0  }
0x20: {  	[sflag:s8] =	ssyncset.s32 @!p0 $0xFFFFF086;
	s6 =	sadd.s32 @!p0 s3, s7;
	s7 =	simm.s32 @!p0 $0x108  }
0x21: {  	s3 =	sadd.s32 s3, s9;
	s6 =	sadd.s32 @!p0 $0x88, s6;
	s7 =	simm.s32 @p2 $0x1082  }
0x22: {  	[simem:s7], [sflag:s8] =	dma.local @!p0 [hbm:s6], $0xF7A  }
0x23: {  	s9 =	sor.u32 $0xD0000000, s2;
	s6 =	simm.s32 $0x108;
	_ =	swait.ge @!p0 [sflag:s8], $0x0  }
0x24: {  	s3 =	sadd.s32 $0x88, s3;
	s6 =	simm.s32 @!p1 $0x1082;
	[sflag:s4] =	ssyncset.s32 $0xFFFFF086  }
0x25: {  	[simem:s6], [sflag:s4] =	dma.local [hbm:s3], $0xF7A  }
0x26: {  	[smem:$0x3F9B] =	sst s1;
	(tag) =	ssettag s2;
	_ =	strace s9  }
0x27: {  	s1 =	sld [smem:$0x3FAB]  }
0x28: {  	s2 =	sld [smem:$0x3FAC]  }
0x29: {  	s4 =	sld [smem:$0x3FAE]  }
0x2a: {  	p0 =	seq.s32 s5, $0x0;
	s5 =	sld [smem:$0x3FAF]  }
0x2b: {  	s6 =	sld [smem:$0x3FB0]  }
0x2c: {  	s7 =	sld [smem:$0x3FB1]  }
0x2d: {  	s3 =	simm.s32 $0x108;
	s8 =	sld [smem:$0x3FB2]  }
0x2e: {  	s3 =	simm.s32 @!p0 $0x1082;
	s9 =	sld [smem:$0x3FB3]  }
0x2f: {  	lr =	sadd.s32 s0, s3;
	s0 =	sld [smem:$0x3FAA]  }
0x30: {  	s3 =	sld [smem:$0x3FAD]  }
0x31: {  	[smem:$0x3FB6] =	sst s10  }
0x32: {  	s10 =	sld [smem:$0x3FB4];
	_ =	sdelay $0x3  }
0x33: {  	p0 =	seq.s32 s10, $0x1;
	s10 =	sld [smem:$0x3FB6];
	_ =	sdelay $0x3  }
0x34: {  	[smem:$0x3FB6] =	sst s10  }
0x35: {  	s10 =	sld [smem:$0x3FB5];
	_ =	sdelay $0x3  }
0x36: {  	p1 =	seq.s32 s10, $0x1;
	s10 =	sld [smem:$0x3FB6];
	_ =	sdelay $0x3  }
0x37: {  	[smem:$0x3FB6] =	sst s10  }
0x38: {  	s10 =	sld [smem:$0x3FB7]  }
0x39: {  	_ = 	snop;
	(pc) =	sbr.ind lr, $3  }
0x3a: {  	_ = 	snop  }
0x3b: {  	_ = 	snop  }
0x3c: {  	p2 =	seq.s32 s10, $0x1;
	s10 =	sld [smem:$0x3FB6]  }
0x3d: {  	_ =	shalt  }
0x3e: {  	_ =	shalt  }
0x3f: {  	_ =	shalt  }
0x40: {  	_ =	shalt  }
0x41: {  	_ =	shalt  }
0x42: {  	_ =	shalt  }
0x43: {  	_ =	shalt  }
0x44: {  	_ =	shalt  }
0x45: {  	_ =	shalt  }
0x46: {  	_ =	shalt  }
0x47: {  	_ =	shalt  }
0x48: {  	_ =	shalt  }
0x49: {  	_ =	shalt  }
0x4a: {  	_ =	shalt  }
0x4b: {  	_ =	shalt  }
0x4c: {  	_ =	shalt  }
0x4d: {  	_ =	shalt  }
0x4e: {  	_ =	shalt  }
0x4f: {  	_ =	shalt  }
0x50: {  	_ =	shalt  }
0x51: {  	_ =	shalt  }
0x52: {  	_ =	shalt  }
0x53: {  	_ =	shalt  }
0x54: {  	_ =	shalt  }
0x55: {  	_ =	shalt  }
0x56: {  	_ =	shalt  }
0x57: {  	_ =	shalt  }
0x58: {  	_ =	shalt  }
0x59: {  	_ =	shalt  }
0x5a: {  	_ =	shalt  }
0x5b: {  	_ =	shalt  }
0x5c: {  	_ =	shalt  }
0x5d: {  	_ =	shalt  }
0x5e: {  	_ =	shalt  }
0x5f: {  	_ =	shalt  }
0x60: {  	_ =	shalt  }
0x61: {  	_ =	shalt  }
0x62: {  	_ =	shalt  }
0x63: {  	_ =	shalt  }
0x64: {  	_ =	shalt  }
0x65: {  	_ =	shalt  }
0x66: {  	_ =	shalt  }
0x67: {  	_ =	shalt  }
0x68: {  	_ =	shalt  }
0x69: {  	_ =	shalt  }
0x6a: {  	_ =	shalt  }
0x6b: {  	_ =	shalt  }
0x6c: {  	_ =	shalt  }
0x6d: {  	_ =	shalt  }
0x6e: {  	_ =	shalt  }
0x6f: {  	_ =	shalt  }
0x70: {  	_ =	shalt  }
0x71: {  	_ =	shalt  }
0x72: {  	_ =	shalt  }
0x73: {  	_ =	shalt  }
0x74: {  	_ =	shalt  }
0x75: {  	_ =	shalt  }
0x76: {  	_ =	shalt  }
0x77: {  	_ =	shalt  }
0x78: {  	_ =	shalt  }
0x79: {  	_ =	shalt  }
0x7a: {  	_ =	shalt  }
0x7b: {  	_ =	shalt  }
0x7c: {  	_ =	shalt  }
0x7d: {  	_ =	shalt  }
0x7e: {  	_ =	shalt  }
0x7f: {  	_ =	shalt  }
0x80: {  	_ =	shalt  }
0x81: {  	_ =	shalt  }
0x82: {  	_ =	shalt  }
0x83: {  	_ =	shalt  }
0x84: {  	_ =	shalt  }
0x85: {  	_ =	shalt  }
0x86: {  	_ =	shalt  }
0x87: {  	_ =	shalt  }
.Lfunc_end0:
.L_simem_size_0:
called_computation.1_lowered:
.L_overlay_start_0:
0x88: {  	s2 =	sld [smem:$0x3FD9]  }
0x89: {  	s3 =	sld [smem:$0x3FFE];
	_ =	sdelay $0x1  }
0x8a: {  	s1 =	srdreg.scid  }
0x8b: {  	s0 =	sand.u32 $0x1, s1  }
0x8c: {  	s17 =	sshll.u32 s0, $0xA;
	s2 =	sadd.s32 s3, s2  }
0x8d: {  	s2 =	sadd.s32 s2, s17  }
0x8e: {  	[smem:$0x3FC2] =	sst s2  }
0x8f: {  	_ = 	snop  }
0x90: {  	s2 =	sld [smem:$0x3FD0];
	(tm) =	ssettm $0x1  }
0x91: {  	s18 =	sld [smem:$0x3FFB];
	_ =	sdelay $0x3  }
0x92: {  	_ =	strace s18  }
0x93: {  	s3 =	sld [smem:$0x3FFC];
	_ =	sdelay $0x3  }
0x94: {  	_ =	strace s3  }
0x95: {  	s3 =	sld [smem:$0x3FFD];
	_ =	sdelay $0x3  }
0x96: {  	_ =	strace s3  }
0x97: {  	_ =	strace $0x8FFFFFFF  }
0x98: {  	s19 =	sld [smem:$0x3FDB];
	_ =	sdelay $0x1  }
0x99: {  	s4 =	simm.s32 $_scs_section_size  }
0x9a: {  	s5 =	simm.s32 $_size__tile_overlayer_lowered;
	s6 =	simm.s32 $_tile_overlayer_lowered  }
0x9b: {  	s22 =	simm.s32 $0x1BFF;
	s21 =	sshll.u32 s6, $0x1;
	s3 =	sadd.s32 s4, s19  }
0x9c: {  	s7 =	simm.s32 $0x0;
	s20 =	sshll.u32 s5, $0x1;
	s5 =	sadd.s32 s21, s3  }
0x9d: {  	[timem:s7], [sflag:s22] =	dma.local [hbm:s5], s20  }
0x9e: {  	_ =	swait.ge [sflag:s22], s20  }
0x9f: {  	s4 =	ssub.s32 $0x0, s20;
	[sflag:s22] =	ssyncset.done $0x0  }
0xa0: {  	[sflag:s22] =	ssyncadd.s32 s4;
	_ =	sdelay $0x1  }
0xa1: {  	s23 =	simm.s32 $0x1B8B  }
0xa2: {  	_ =	swait.ge [sflag:s23], $0x1  }
0xa3: {  	[sflag:s23] =	ssyncset.done $0x0  }
0xa4: {  	s25 =	simm.s32 $0x1B8E;
	s24 =	sld [smem:$0x3FFE];
	[sflag:s23] =	ssyncadd.s32 $0xFFFFFFFF  }
0xa5: {  	s26 =	simm.s32 $execute0_lowered;
	[smem:$0x3FD2] =	sst s25  }
0xa6: {  	s5 =	sshll.u32 s26, $0x1;
	_ =	strace $0x80000046;
	[dreg:$0x1] =	wrdreg $0xFFFFFFFF  }
0xa7: {  	s28 =	simm.s32 $_size_execute0_lowered;
	s3 =	sadd.s32 s3, s5;
	[dreg:$0x0] =	wrdreg $0x0  }
0xa8: {  	s5 =	sshll.u32 s28, $0x1;
	[dreg:$0x2] =	wrdreg s3  }
0xa9: {  	[dreg:$0x3] =	wrdreg s5  }
0xaa: {  	[dreg:$0x4] =	wrdreg $0xC0  }
0xab: {  	_ =	task [dreg:s7], $0x5FFFF  }
0xac: {  	[dreg:$0x1] =	wrdreg $0xFFFFFFFF  }
0xad: {  	[dreg:$0x0] =	wrdreg $0x60  }
0xae: {  	[dreg:$0x2] =	wrdreg s24  }
0xaf: {  	[dreg:$0x3] =	wrdreg s2  }
0xb0: {  	[dreg:$0x4] =	wrdreg $0xA  }
0xb1: {  	_ =	task.clear_ibuf [dreg:s7], $0x5FFFF;
	_ =	strace $0x90000046  }
0xb2: {  	s29 =	simm.s32 $0xA;
	_ =	strace $0x80000048  }
0xb3: {  	_ =	swait.ge [sflag:s29], $0x1  }
0xb4: {  	[sflag:s29] =	ssyncadd.s32 $0xFFFFFFFF  }
0xb5: {  	_ =	strace $0x90000048  }
0xb6: {  	_ =	sfence  }
0xb7: {  	s30 =	sld [smem:$0x0];
	_ =	sdelay $0x2  }
0xb8: {  	s31 =	sshll.u32 s1, $0xD;
	s1 =	sshrl.u32 s1, $0x2  }
0xb9: {  	s3 =	sand.u32 $0x4000, s31;
	s1 =	sadd.s32 s1, s30  }
0xba: {  	s0 =	sor.u32 s3, s0;
	s1 =	sshll.u32 s1, $0x11  }
0xbb: {  	s0 =	sor.u32 s1, s0  }
0xbc: {  	s0 =	sadd.s32 $0x8F2B, s0  }
0xbd: {  	[sflag:s0] =	ssyncadd.remote.s32 $0x1  }
0xbe: {  	_ =	sfence.sel $0xFFFF  }
0xbf: {  	[dreg:$0x0] =	wrdreg $0xFFFFFFFF;
	(pc) =	sbr.abs _section_cstart, $3  }
0xc0: {  	[dreg:$0x1] =	wrdreg $0xFFFFFFFF  }
0xc1: {  	_ =	task.clear_ibuf [dreg:s7], $0x2FFFF;
	_ =	strace $0x9FFFFFFF  }
0xc2: {  	(tm) =	ssettm $0x7FFFFFFF  }
0xc3: {  	_ =	shalt  }
tec
execute0_lowered:
.L_overlay_start_1:
0x0: {  	(tag) =	ssettag $0x1  }
0x1: {  	s1 =	srdreg.scid  }
0x2: {  	s0 =	stileid.u32;
	s26 =	sand.u32 $0x1, s1  }
0x3: {  	s31 =	sshll.u32 s0, $0xB;
	s3 =	sshll.u32 s26, $0xA  }
0x4: {  	s10 =	rddreg [dreg:$0x0];
	s11 =	sor.u32 s3, s31  }
0x5: {  	s2 =	rddreg [dreg:$0x1];
	s3 =	simm.s32 $0x0;
	s4 =	sshrl.u32 s11, $0x3  }
0x6: {  	s5 =	simm.s32 $0x5;
	[smem:$0x7FF] =	sst s3;
	s4 =	sadd.s32 s4, s10  }
0x7: {  	s1 =	rddreg [dreg:$0x2];
	_ =	strace $0x80000047;
	s4 =	sadd.s32 $0x2000, s4  }
0x8: {  	[tilespmem:s3], [sflag:$0x5] =	stream.linear.gather [hbm4b:s4+s3], $0x400, $0x38;
	[tilespmem:$0x8400] =	vst v63  }
0x9: {  	_ =	swait.ge [sflag:s5], $0x400  }
0xa: {  	[sflag:s5] =	ssyncset.done $0x0  }
0xb: {  	s6 =	simm.s32 $0x80;
	s7 =	simm.s32 $0x400;
	[sflag:s5] =	ssyncadd.s32 $0xFFFFFC00  }
0xc: {  	[tilespmem:s7], [sflag:$0x1] =	stream.indirect.gather [hbm4b:s2+s6], $0x80, s3, s6, $0xb8;
	[tilespmem:$0x8400] =	vst v63  }
0xd: {  	s8 =	simm.s32 $0x4400;
	s9 =	simm.s32 $0x1  }
0xe: {  	[tilespmem:s8], [sflag:$0x2] =	stream.indirect.gather [hbm4b:s2+s6], $0x80, s6, s6, $0xb8;
	[tilespmem:$0x8400] =	vst v63  }
0xf: {  	s11 =	sshll.u32 s11, $0x4;
	_ =	swait.ge [sflag:s9], $0x4000  }
0x10: {  	s28 =	sadd.s32 s11, s10;
	[sflag:s9] =	ssyncset.done $0x0  }
0x11: {  	s11 =	simm.s32 $0x3;
	s10 =	sadd.s32 $0x3000, s28;
	[sflag:s9] =	ssyncadd.s32 $0xFFFFC000  }
0x12: {  	[hbm4b:s10+s3] =	stream.linear.scatter [tilespmem:s7], [sflag:$0x3], $0x4000, $0x38;
	[tilespmem:$0x8400] =	vst v63  }
0x13: {  	_ =	swait.ge [sflag:s11], $0x4000  }
0x14: {  	[sflag:s11] =	ssyncset.done $0x0  }
0x15: {  	s12 =	simm.s32 $0x100;
	s13 =	simm.s32 $0x2;
	[sflag:s11] =	ssyncadd.s32 $0xFFFFC000  }
0x16: {  	[tilespmem:s7], [sflag:$0x1] =	stream.indirect.gather [hbm4b:s2+s6], $0x80, s12, s6, $0xb8;
	[tilespmem:$0x8400] =	vst v63  }
0x17: {  	_ =	swait.ge [sflag:s13], $0x4000  }
0x18: {  	[sflag:s13] =	ssyncset.done $0x0  }
0x19: {  	s14 =	simm.s32 $0x4;
	s15 =	sadd.s32 $0x3800, s28;
	[sflag:s13] =	ssyncadd.s32 $0xFFFFC000  }
0x1a: {  	[hbm4b:s15+s3] =	stream.linear.scatter [tilespmem:s8], [sflag:$0x4], $0x4000, $0x38;
	[tilespmem:$0x8400] =	vst v63  }
0x1b: {  	_ =	swait.ge [sflag:s14], $0x4000  }
0x1c: {  	[sflag:s14] =	ssyncset.done $0x0  }
0x1d: {  	s16 =	simm.s32 $0x180;
	[sflag:s14] =	ssyncadd.s32 $0xFFFFC000  }
0x1e: {  	[tilespmem:s8], [sflag:$0x2] =	stream.indirect.gather [hbm4b:s2+s6], $0x80, s16, s6, $0xb8;
	[tilespmem:$0x8400] =	vst v63  }
0x1f: {  	_ =	swait.ge [sflag:s9], $0x4000  }
0x20: {  	[sflag:s9] =	ssyncset.done $0x0  }
0x21: {  	s17 =	sadd.s32 $0x4000, s28;
	[sflag:s9] =	ssyncadd.s32 $0xFFFFC000  }
0x22: {  	[hbm4b:s17+s3] =	stream.linear.scatter [tilespmem:s7], [sflag:$0x3], $0x4000, $0x38;
	[tilespmem:$0x8400] =	vst v63  }
0x23: {  	_ =	swait.ge [sflag:s11], $0x4000  }
0x24: {  	[sflag:s11] =	ssyncset.done $0x0  }
0x25: {  	s18 =	simm.s32 $0x200;
	[sflag:s11] =	ssyncadd.s32 $0xFFFFC000  }
0x26: {  	[tilespmem:s7], [sflag:$0x1] =	stream.indirect.gather [hbm4b:s2+s6], $0x80, s18, s6, $0xb8;
	[tilespmem:$0x8400] =	vst v63  }
0x27: {  	_ =	swait.ge [sflag:s13], $0x4000  }
0x28: {  	[sflag:s13] =	ssyncset.done $0x0  }
0x29: {  	s19 =	sadd.s32 $0x4800, s28;
	[sflag:s13] =	ssyncadd.s32 $0xFFFFC000  }
0x2a: {  	[hbm4b:s19+s3] =	stream.linear.scatter [tilespmem:s8], [sflag:$0x4], $0x4000, $0x38;
	[tilespmem:$0x8400] =	vst v63  }
0x2b: {  	_ =	swait.ge [sflag:s14], $0x4000  }
0x2c: {  	[sflag:s14] =	ssyncset.done $0x0  }
0x2d: {  	s20 =	simm.s32 $0x280;
	[sflag:s14] =	ssyncadd.s32 $0xFFFFC000  }
0x2e: {  	[tilespmem:s8], [sflag:$0x2] =	stream.indirect.gather [hbm4b:s2+s6], $0x80, s20, s6, $0xb8;
	[tilespmem:$0x8400] =	vst v63  }
0x2f: {  	_ =	swait.ge [sflag:s9], $0x4000  }
0x30: {  	[sflag:s9] =	ssyncset.done $0x0  }
0x31: {  	s21 =	sadd.s32 $0x5000, s28;
	[sflag:s9] =	ssyncadd.s32 $0xFFFFC000  }
0x32: {  	[hbm4b:s21+s3] =	stream.linear.scatter [tilespmem:s7], [sflag:$0x3], $0x4000, $0x38;
	[tilespmem:$0x8400] =	vst v63  }
0x33: {  	_ =	swait.ge [sflag:s11], $0x4000  }
0x34: {  	[sflag:s11] =	ssyncset.done $0x0  }
0x35: {  	s22 =	simm.s32 $0x300;
	[sflag:s11] =	ssyncadd.s32 $0xFFFFC000  }
0x36: {  	[tilespmem:s7], [sflag:$0x1] =	stream.indirect.gather [hbm4b:s2+s6], $0x80, s22, s6, $0xb8;
	[tilespmem:$0x8400] =	vst v63  }
0x37: {  	_ =	swait.ge [sflag:s13], $0x4000  }
0x38: {  	[sflag:s13] =	ssyncset.done $0x0  }
0x39: {  	s23 =	sadd.s32 $0x5800, s28;
	[sflag:s13] =	ssyncadd.s32 $0xFFFFC000  }
0x3a: {  	[hbm4b:s23+s3] =	stream.linear.scatter [tilespmem:s8], [sflag:$0x4], $0x4000, $0x38;
	[tilespmem:$0x8400] =	vst v63  }
0x3b: {  	_ =	swait.ge [sflag:s14], $0x4000  }
0x3c: {  	[sflag:s14] =	ssyncset.done $0x0  }
0x3d: {  	s24 =	simm.s32 $0x380;
	[sflag:s14] =	ssyncadd.s32 $0xFFFFC000  }
0x3e: {  	[tilespmem:s8], [sflag:$0x2] =	stream.indirect.gather [hbm4b:s2+s6], $0x80, s24, s6, $0xb8;
	[tilespmem:$0x8400] =	vst v63  }
0x3f: {  	_ =	swait.ge [sflag:s9], $0x4000  }
0x40: {  	s29 =	ssub.s32 $0x2, s26;
	s25 =	sadd.s32 $0x6000, s28;
	[sflag:s9] =	ssyncset.done $0x0  }
0x41: {  	s26 =	sadd.s32 $0x6800, s28;
	s28 =	sshrl.u32 s29, $0x1;
	[sflag:s9] =	ssyncadd.s32 $0xFFFFC000  }
0x42: {  	[hbm4b:s25+s3] =	stream.linear.scatter [tilespmem:s7], [sflag:$0x3], $0x4000, $0x38;
	[tilespmem:$0x8400] =	vst v63  }
0x43: {  	s28 =	ssub.s32 s29, s28;
	_ =	swait.ge [sflag:s13], $0x4000  }
0x44: {  	s28 =	smax.u32 s28, $0x1;
	[sflag:s13] =	ssyncset.done $0x0  }
0x45: {  	p0 =	sne.s32 s28, $0x1;
	[sflag:s13] =	ssyncadd.s32 $0xFFFFC000  }
0x46: {  	[hbm4b:s26+s3] =	stream.linear.scatter [tilespmem:s8], [sflag:$0x4], $0x4000, $0x38;
	[tilespmem:$0x8400] =	vst v63  }
.Ltmp0:
0x47: {  	_ =	swait.ge [sflag:s11], $0x4000;
	(pc) =	sbr.rel @!p0 .LBB2_2-.Ltmp0, $4  }
0x48: {  	[sflag:s11] =	ssyncset.done $0x0  }
0x49: {  	[sflag:s11] =	ssyncadd.s32 $0xFFFFC000  }
0x4a: {  	_ =	swait.ge [sflag:s14], $0x4000  }
0x4b: {  	s28 =	sadd.s32 $0xFFFFFFFF, s28;
	[sflag:s14] =	ssyncset.done $0x0  }
.LBB2_1:
0x4c: {  	p0 =	sne.s32 s28, $0x1;
	s28 =	sadd.s32 $0xFFFFFFFF, s28;
	[sflag:s14] =	ssyncadd.s32 $0xFFFFC000  }
0x4d: {  	[tilespmem:s3], [sflag:$0x5] =	stream.linear.gather [hbm4b:s4+s3], $0x400, $0x38;
	[tilespmem:$0x8400] =	vst v63  }
0x4e: {  	_ =	swait.ge [sflag:s5], $0x400  }
0x4f: {  	[sflag:s5] =	ssyncset.done $0x0  }
0x50: {  	[sflag:s5] =	ssyncadd.s32 $0xFFFFFC00  }
0x51: {  	[tilespmem:s7], [sflag:$0x1] =	stream.indirect.gather [hbm4b:s2+s6], $0x80, s3, s6, $0xb8;
	[tilespmem:$0x8400] =	vst v63  }
0x52: {  	_ = 	snop  }
0x53: {  	[tilespmem:s8], [sflag:$0x2] =	stream.indirect.gather [hbm4b:s2+s6], $0x80, s6, s6, $0xb8;
	[tilespmem:$0x8400] =	vst v63  }
0x54: {  	_ =	swait.ge [sflag:s9], $0x4000  }
0x55: {  	[sflag:s9] =	ssyncset.done $0x0  }
0x56: {  	[sflag:s9] =	ssyncadd.s32 $0xFFFFC000  }
0x57: {  	[hbm4b:s10+s3] =	stream.linear.scatter [tilespmem:s7], [sflag:$0x3], $0x4000, $0x38;
	[tilespmem:$0x8400] =	vst v63  }
0x58: {  	_ =	swait.ge [sflag:s11], $0x4000  }
0x59: {  	[sflag:s11] =	ssyncset.done $0x0  }
0x5a: {  	[sflag:s11] =	ssyncadd.s32 $0xFFFFC000  }
0x5b: {  	[tilespmem:s7], [sflag:$0x1] =	stream.indirect.gather [hbm4b:s2+s6], $0x80, s12, s6, $0xb8;
	[tilespmem:$0x8400] =	vst v63  }
0x5c: {  	_ =	swait.ge [sflag:s13], $0x4000  }
0x5d: {  	[sflag:s13] =	ssyncset.done $0x0  }
0x5e: {  	[sflag:s13] =	ssyncadd.s32 $0xFFFFC000  }
0x5f: {  	[hbm4b:s15+s3] =	stream.linear.scatter [tilespmem:s8], [sflag:$0x4], $0x4000, $0x38;
	[tilespmem:$0x8400] =	vst v63  }
0x60: {  	_ =	swait.ge [sflag:s14], $0x4000  }
0x61: {  	[sflag:s14] =	ssyncset.done $0x0  }
0x62: {  	[sflag:s14] =	ssyncadd.s32 $0xFFFFC000  }
0x63: {  	[tilespmem:s8], [sflag:$0x2] =	stream.indirect.gather [hbm4b:s2+s6], $0x80, s16, s6, $0xb8;
	[tilespmem:$0x8400] =	vst v63  }
0x64: {  	_ =	swait.ge [sflag:s9], $0x4000  }
0x65: {  	[sflag:s9] =	ssyncset.done $0x0  }
0x66: {  	[sflag:s9] =	ssyncadd.s32 $0xFFFFC000  }
0x67: {  	[hbm4b:s17+s3] =	stream.linear.scatter [tilespmem:s7], [sflag:$0x3], $0x4000, $0x38;
	[tilespmem:$0x8400] =	vst v63  }
0x68: {  	_ =	swait.ge [sflag:s11], $0x4000  }
0x69: {  	[sflag:s11] =	ssyncset.done $0x0  }
0x6a: {  	[sflag:s11] =	ssyncadd.s32 $0xFFFFC000  }
0x6b: {  	[tilespmem:s7], [sflag:$0x1] =	stream.indirect.gather [hbm4b:s2+s6], $0x80, s18, s6, $0xb8;
	[tilespmem:$0x8400] =	vst v63  }
0x6c: {  	_ =	swait.ge [sflag:s13], $0x4000  }
0x6d: {  	[sflag:s13] =	ssyncset.done $0x0  }
0x6e: {  	[sflag:s13] =	ssyncadd.s32 $0xFFFFC000  }
0x6f: {  	[hbm4b:s19+s3] =	stream.linear.scatter [tilespmem:s8], [sflag:$0x4], $0x4000, $0x38;
	[tilespmem:$0x8400] =	vst v63  }
0x70: {  	_ =	swait.ge [sflag:s14], $0x4000  }
0x71: {  	[sflag:s14] =	ssyncset.done $0x0  }
0x72: {  	[sflag:s14] =	ssyncadd.s32 $0xFFFFC000  }
0x73: {  	[tilespmem:s8], [sflag:$0x2] =	stream.indirect.gather [hbm4b:s2+s6], $0x80, s20, s6, $0xb8;
	[tilespmem:$0x8400] =	vst v63  }
0x74: {  	_ =	swait.ge [sflag:s9], $0x4000  }
0x75: {  	[sflag:s9] =	ssyncset.done $0x0  }
0x76: {  	[sflag:s9] =	ssyncadd.s32 $0xFFFFC000  }
0x77: {  	[hbm4b:s21+s3] =	stream.linear.scatter [tilespmem:s7], [sflag:$0x3], $0x4000, $0x38;
	[tilespmem:$0x8400] =	vst v63  }
0x78: {  	_ =	swait.ge [sflag:s11], $0x4000  }
0x79: {  	[sflag:s11] =	ssyncset.done $0x0  }
0x7a: {  	[sflag:s11] =	ssyncadd.s32 $0xFFFFC000  }
0x7b: {  	[tilespmem:s7], [sflag:$0x1] =	stream.indirect.gather [hbm4b:s2+s6], $0x80, s22, s6, $0xb8;
	[tilespmem:$0x8400] =	vst v63  }
0x7c: {  	_ =	swait.ge [sflag:s13], $0x4000  }
0x7d: {  	[sflag:s13] =	ssyncset.done $0x0  }
0x7e: {  	[sflag:s13] =	ssyncadd.s32 $0xFFFFC000  }
0x7f: {  	[hbm4b:s23+s3] =	stream.linear.scatter [tilespmem:s8], [sflag:$0x4], $0x4000, $0x38;
	[tilespmem:$0x8400] =	vst v63  }
0x80: {  	_ =	swait.ge [sflag:s14], $0x4000  }
0x81: {  	[sflag:s14] =	ssyncset.done $0x0  }
0x82: {  	[sflag:s14] =	ssyncadd.s32 $0xFFFFC000  }
0x83: {  	[tilespmem:s8], [sflag:$0x2] =	stream.indirect.gather [hbm4b:s2+s6], $0x80, s24, s6, $0xb8;
	[tilespmem:$0x8400] =	vst v63  }
0x84: {  	_ =	swait.ge [sflag:s9], $0x4000  }
0x85: {  	[sflag:s9] =	ssyncset.done $0x0  }
0x86: {  	[sflag:s9] =	ssyncadd.s32 $0xFFFFC000  }
0x87: {  	[hbm4b:s25+s3] =	stream.linear.scatter [tilespmem:s7], [sflag:$0x3], $0x4000, $0x38;
	[tilespmem:$0x8400] =	vst v63  }
0x88: {  	_ =	swait.ge [sflag:s13], $0x4000  }
0x89: {  	[sflag:s13] =	ssyncset.done $0x0  }
0x8a: {  	[sflag:s13] =	ssyncadd.s32 $0xFFFFC000  }
0x8b: {  	[hbm4b:s26+s3] =	stream.linear.scatter [tilespmem:s8], [sflag:$0x4], $0x4000, $0x38;
	[tilespmem:$0x8400] =	vst v63  }
.Ltmp1:
0x8c: {  	_ =	swait.ge [sflag:s11], $0x4000;
	(pc) =	sbr.rel @p0 .LBB2_1-.Ltmp1, $4  }
0x8d: {  	[sflag:s11] =	ssyncset.done $0x0  }
0x8e: {  	[sflag:s11] =	ssyncadd.s32 $0xFFFFC000  }
0x8f: {  	_ =	swait.ge [sflag:s14], $0x4000  }
0x90: {  	[sflag:s14] =	ssyncset.done $0x0  }
.LBB2_2:
0x91: {  	[sflag:s14] =	ssyncadd.s32 $0xFFFFC000  }
0x92: {  	_ =	sfence.sel $0x180000  }
0x93: {  	[bflag:$0x0] =	sbarrier.arrive $0xFFFF  }
0x94: {  	p0 =	sne.s32 s0, $0x0;
	_ =	strace $0x90000047  }
0x95: {  	s0 =	sadd.s32 @!p0 $0x100000, s1;
	[bflag:$0x2] =	sbarrier.arrive $0xFFFF  }
0x96: {  	[sflag:s0] =	ssyncadd.tile.s32 @!p0 $0x1;
	_ =	shalt  }
.Lfunc_end2:
_tile_overlayer_lowered:
.L_overlay_start_2:
0x97: {  	(tag) =	ssettag $0x2  }
0x98: {  	s0 =	rddreg [dreg:$0x0];
	s2 =	stileid.u32  }
0x99: {  	s1 =	rddreg [dreg:$0x1];
	p0 =	sne.s32 s2, $0x0  }
0x9a: {  	s3 =	rddreg [dreg:$0x2];
	[bflag:$0x3] =	sbarrier.arrive $0xFFFF;
	s2 =	simm.s32 @!p0 $0x1C05  }
0x9b: {  	[timem:s3], [sflag:s2] =	dma.local @!p0 [hbm:s0], s1  }
0x9c: {  	s0 =	simm.s32 @!p0 $0x5  }
0x9d: {  	_ =	swait.ge @!p0 [sflag:s0], s1  }
0x9e: {  	s1 =	ssub.s32 @!p0 $0x0, s1;
	[sflag:s0] =	ssyncset.done @!p0 $0x0  }
0x9f: {  	[sflag:s0] =	ssyncadd.s32 @!p0 s1  }
0xa0: {  	[bflag:$0x3] =	sbarrier.arrive $0xFFFF  }
0xa1: {  	_ =	shalt  }

// kernel: kernel.9.cloned.1.call-start
scs
__scs_entry_jumppad:
0x0: {  	(pc) =	sbr.rel $0x88, $3  }
0x1: {  	(tag) =	ssettag $0x0;
	lr =	simm.s32 $0x1  }
0x2: {  	[smem:$0x3F9B] =	sst lr;
	_ =	strace $0xD0000000  }
0x3: {  	_ = 	snop  }
0x4: {  	_ = 	snop  }
0x5: {  	_ = 	snop  }
0x6: {  	_ = 	snop  }
0x7: {  	_ = 	snop  }
__scs_overlays_trampoline_lowered:
0x8: {  	[smem:$0x3FAA] =	sst s0  }
0x9: {  	[smem:$0x3FAB] =	sst s1  }
0xa: {  	[smem:$0x3FAC] =	sst s2  }
0xb: {  	[smem:$0x3FAD] =	sst s3  }
0xc: {  	[smem:$0x3FAE] =	sst s4  }
0xd: {  	[smem:$0x3FAF] =	sst s5  }
0xe: {  	[smem:$0x3FB0] =	sst s6  }
0xf: {  	[smem:$0x3FB1] =	sst s7  }
0x10: {  	[smem:$0x3FB2] =	sst s8  }
0x11: {  	[smem:$0x3FB3] =	sst s9;
	s0 =	simm.s32 @!p0 $0x0  }
0x12: {  	s1 =	sld [smem:$0x3F99];
	s0 =	simm.s32 @p0 $0x1  }
0x13: {  	[smem:$0x3FB4] =	sst s0;
	s0 =	simm.s32 @!p1 $0x0  }
0x14: {  	s2 =	sld [smem:$0x3F98];
	s0 =	simm.s32 @p1 $0x1  }
0x15: {  	[smem:$0x3FB5] =	sst s0;
	s0 =	simm.s32 @!p2 $0x0  }
0x16: {  	s3 =	sld [smem:$0x3FDB];
	s0 =	simm.s32 @p2 $0x1  }
0x17: {  	s4 =	simm.s32 $0x1BF5;
	[smem:$0x3FB7] =	sst s0  }
0x18: {  	s0 =	sld [smem:$0x3F9A];
	_ =	swait.ge [sflag:s4], $0x0  }
0x19: {  	s7 =	sld [smem:$0x3F9B]  }
0x1a: {  	s8 =	sadd.s32 $0xFFFFE003, lr  }
0x1b: {  	s9 =	sadd.s32 $0xFFFFFEF7, lr;
	s5 =	simm.s32 $0xFFFFFFFF;
	p2 =	slt.u32 s8, $0xFFFFF086  }
0x1c: {  	p1 =	slt.u32 s9, $0xF7A;
	s5 =	simm.s32 @!p2 $0x0  }
0x1d: {  	s5 =	simm.s32 @p1 $0x1;
	p0 =	seq.s32 s7, s2  }
0x1e: {  	s7 =	smul.u32 @!p0 $0xF7A, s2;
	p2 =	seq.s32 @!p0 s5, $0x0  }
0x1f: {  	s9 =	smul.u32 $0xF7A, s1;
	s8 =	simm.s32 @!p0 $0x1BF5;
	p2 =	por !p2, p0  }
0x20: {  	[sflag:s8] =	ssyncset.s32 @!p0 $0xFFFFF086;
	s6 =	sadd.s32 @!p0 s3, s7;
	s7 =	simm.s32 @!p0 $0x108  }
0x21: {  	s3 =	sadd.s32 s3, s9;
	s6 =	sadd.s32 @!p0 $0x88, s6;
	s7 =	simm.s32 @p2 $0x1082  }
0x22: {  	[simem:s7], [sflag:s8] =	dma.local @!p0 [hbm:s6], $0xF7A  }
0x23: {  	s9 =	sor.u32 $0xD0000000, s2;
	s6 =	simm.s32 $0x108;
	_ =	swait.ge @!p0 [sflag:s8], $0x0  }
0x24: {  	s3 =	sadd.s32 $0x88, s3;
	s6 =	simm.s32 @!p1 $0x1082;
	[sflag:s4] =	ssyncset.s32 $0xFFFFF086  }
0x25: {  	[simem:s6], [sflag:s4] =	dma.local [hbm:s3], $0xF7A  }
0x26: {  	[smem:$0x3F9B] =	sst s1;
	(tag) =	ssettag s2;
	_ =	strace s9  }
0x27: {  	s1 =	sld [smem:$0x3FAB]  }
0x28: {  	s2 =	sld [smem:$0x3FAC]  }
0x29: {  	s4 =	sld [smem:$0x3FAE]  }
0x2a: {  	p0 =	seq.s32 s5, $0x0;
	s5 =	sld [smem:$0x3FAF]  }
0x2b: {  	s6 =	sld [smem:$0x3FB0]  }
0x2c: {  	s7 =	sld [smem:$0x3FB1]  }
0x2d: {  	s3 =	simm.s32 $0x108;
	s8 =	sld [smem:$0x3FB2]  }
0x2e: {  	s3 =	simm.s32 @!p0 $0x1082;
	s9 =	sld [smem:$0x3FB3]  }
0x2f: {  	lr =	sadd.s32 s0, s3;
	s0 =	sld [smem:$0x3FAA]  }
0x30: {  	s3 =	sld [smem:$0x3FAD]  }
0x31: {  	[smem:$0x3FB6] =	sst s10  }
0x32: {  	s10 =	sld [smem:$0x3FB4];
	_ =	sdelay $0x3  }
0x33: {  	p0 =	seq.s32 s10, $0x1;
	s10 =	sld [smem:$0x3FB6];
	_ =	sdelay $0x3  }
0x34: {  	[smem:$0x3FB6] =	sst s10  }
0x35: {  	s10 =	sld [smem:$0x3FB5];
	_ =	sdelay $0x3  }
0x36: {  	p1 =	seq.s32 s10, $0x1;
	s10 =	sld [smem:$0x3FB6];
	_ =	sdelay $0x3  }
0x37: {  	[smem:$0x3FB6] =	sst s10  }
0x38: {  	s10 =	sld [smem:$0x3FB7]  }
0x39: {  	_ = 	snop;
	(pc) =	sbr.ind lr, $3  }
0x3a: {  	_ = 	snop  }
0x3b: {  	_ = 	snop  }
0x3c: {  	p2 =	seq.s32 s10, $0x1;
	s10 =	sld [smem:$0x3FB6]  }
0x3d: {  	_ =	shalt  }
0x3e: {  	_ =	shalt  }
0x3f: {  	_ =	shalt  }
0x40: {  	_ =	shalt  }
0x41: {  	_ =	shalt  }
0x42: {  	_ =	shalt  }
0x43: {  	_ =	shalt  }
0x44: {  	_ =	shalt  }
0x45: {  	_ =	shalt  }
0x46: {  	_ =	shalt  }
0x47: {  	_ =	shalt  }
0x48: {  	_ =	shalt  }
0x49: {  	_ =	shalt  }
0x4a: {  	_ =	shalt  }
0x4b: {  	_ =	shalt  }
0x4c: {  	_ =	shalt  }
0x4d: {  	_ =	shalt  }
0x4e: {  	_ =	shalt  }
0x4f: {  	_ =	shalt  }
0x50: {  	_ =	shalt  }
0x51: {  	_ =	shalt  }
0x52: {  	_ =	shalt  }
0x53: {  	_ =	shalt  }
0x54: {  	_ =	shalt  }
0x55: {  	_ =	shalt  }
0x56: {  	_ =	shalt  }
0x57: {  	_ =	shalt  }
0x58: {  	_ =	shalt  }
0x59: {  	_ =	shalt  }
0x5a: {  	_ =	shalt  }
0x5b: {  	_ =	shalt  }
0x5c: {  	_ =	shalt  }
0x5d: {  	_ =	shalt  }
0x5e: {  	_ =	shalt  }
0x5f: {  	_ =	shalt  }
0x60: {  	_ =	shalt  }
0x61: {  	_ =	shalt  }
0x62: {  	_ =	shalt  }
0x63: {  	_ =	shalt  }
0x64: {  	_ =	shalt  }
0x65: {  	_ =	shalt  }
0x66: {  	_ =	shalt  }
0x67: {  	_ =	shalt  }
0x68: {  	_ =	shalt  }
0x69: {  	_ =	shalt  }
0x6a: {  	_ =	shalt  }
0x6b: {  	_ =	shalt  }
0x6c: {  	_ =	shalt  }
0x6d: {  	_ =	shalt  }
0x6e: {  	_ =	shalt  }
0x6f: {  	_ =	shalt  }
0x70: {  	_ =	shalt  }
0x71: {  	_ =	shalt  }
0x72: {  	_ =	shalt  }
0x73: {  	_ =	shalt  }
0x74: {  	_ =	shalt  }
0x75: {  	_ =	shalt  }
0x76: {  	_ =	shalt  }
0x77: {  	_ =	shalt  }
0x78: {  	_ =	shalt  }
0x79: {  	_ =	shalt  }
0x7a: {  	_ =	shalt  }
0x7b: {  	_ =	shalt  }
0x7c: {  	_ =	shalt  }
0x7d: {  	_ =	shalt  }
0x7e: {  	_ =	shalt  }
0x7f: {  	_ =	shalt  }
0x80: {  	_ =	shalt  }
0x81: {  	_ =	shalt  }
0x82: {  	_ =	shalt  }
0x83: {  	_ =	shalt  }
0x84: {  	_ =	shalt  }
0x85: {  	_ =	shalt  }
0x86: {  	_ =	shalt  }
0x87: {  	_ =	shalt  }
.Lfunc_end0:
.L_simem_size_0:
called_computation_lowered:
.L_overlay_start_0:
0x88: {  	s2 =	sld [smem:$0x3FD9]  }
0x89: {  	s3 =	sld [smem:$0x3FFE];
	_ =	sdelay $0x1  }
0x8a: {  	s1 =	srdreg.scid  }
0x8b: {  	s0 =	sand.u32 $0x1, s1  }
0x8c: {  	s17 =	sshll.u32 s0, $0xA;
	s2 =	sadd.s32 s3, s2  }
0x8d: {  	s2 =	sadd.s32 s2, s17  }
0x8e: {  	[smem:$0x3FC2] =	sst s2  }
0x8f: {  	_ = 	snop  }
0x90: {  	s18 =	sld [smem:$0x3FD0];
	(tm) =	ssettm $0x1  }
0x91: {  	s19 =	sld [smem:$0x3FFB];
	_ =	sdelay $0x3  }
0x92: {  	_ =	strace s19  }
0x93: {  	s2 =	sld [smem:$0x3FFC];
	_ =	sdelay $0x3  }
0x94: {  	_ =	strace s2  }
0x95: {  	s2 =	sld [smem:$0x3FFD];
	_ =	sdelay $0x3  }
0x96: {  	_ =	strace s2  }
0x97: {  	_ =	strace $0x8FFFFFFF  }
0x98: {  	s20 =	sld [smem:$0x3FDB];
	_ =	sdelay $0x1  }
0x99: {  	s4 =	simm.s32 $_scs_section_size  }
0x9a: {  	s5 =	simm.s32 $_size__tile_overlayer_lowered;
	s6 =	simm.s32 $_tile_overlayer_lowered  }
0x9b: {  	s7 =	simm.s32 $0x1BFF;
	s21 =	sshll.u32 s6, $0x1;
	s4 =	sadd.s32 s4, s20  }
0x9c: {  	s22 =	simm.s32 $0x0;
	s5 =	sshll.u32 s5, $0x1;
	s6 =	sadd.s32 s21, s4  }
0x9d: {  	[timem:s22], [sflag:s7] =	dma.local [hbm:s6], s5  }
0x9e: {  	_ =	swait.ge [sflag:s7], s5  }
0x9f: {  	s5 =	ssub.s32 $0x0, s5;
	[sflag:s7] =	ssyncset.done $0x0  }
0xa0: {  	[sflag:s7] =	ssyncadd.s32 s5;
	_ =	sdelay $0x1  }
0xa1: {  	s23 =	simm.s32 $0x1B8B  }
0xa2: {  	_ =	swait.ge [sflag:s23], $0x1  }
0xa3: {  	[sflag:s23] =	ssyncset.done $0x0  }
0xa4: {  	[sflag:s23] =	ssyncadd.s32 $0xFFFFFFFF  }
0xa5: {  	s5 =	sld [smem:$0x0]  }
0xa6: {  	s6 =	sand.u32 $0xFFFFFFFE, s1  }
0xa7: {  	p0 =	sne.s32 s1, s6  }
0xa8: {  	s6 =	sshll.u32 @p0 s6, $0xE  }
0xa9: {  	s6 =	sadd.s32 @p0 $0x11B8D, s6;
	s7 =	sshll.u32 @p0 s5, $0x11  }
0xaa: {  	s6 =	sor.u32 @p0 s7, s6  }
0xab: {  	[sflag:s6] =	ssyncadd.remote.s32 @p0 $0x1;
	_ =	sdelay $0x1  }
0xac: {  	s6 =	simm.s32 @p0 $0x1B8D  }
0xad: {  	_ =	swait.eq @p0 [sflag:s6], $0x1  }
0xae: {  	[sflag:s6] =	ssyncadd.s32 @p0 $0xFFFFFFFF  }
0xaf: {  	s7 =	sshll.u32 @!p0 s1, $0xE  }
0xb0: {  	s7 =	sor.u32 @!p0 $0x4000, s7;
	s6 =	simm.s32 @!p0 $0x1B8D  }
0xb1: {  	s5 =	sshll.u32 @!p0 s5, $0x11;
	s7 =	sadd.s32 @!p0 $0x11B8D, s7;
	_ =	swait.eq @!p0 [sflag:s6], $0x1  }
0xb2: {  	s5 =	sor.u32 @!p0 s5, s7;
	[sflag:s6] =	ssyncadd.s32 @!p0 $0xFFFFFFFF  }
0xb3: {  	s25 =	simm.s32 $0x1B8E;
	s24 =	sld [smem:$0x3FFE];
	[sflag:s5] =	ssyncadd.remote.s32 @!p0 $0x1  }
0xb4: {  	s26 =	simm.s32 $execute0_lowered;
	[smem:$0x3FD2] =	sst s25  }
0xb5: {  	s6 =	sshll.u32 s26, $0x1;
	_ =	strace $0x80000049;
	[dreg:$0x1] =	wrdreg $0xFFFFFFFF  }
0xb6: {  	s28 =	simm.s32 $_size_execute0_lowered;
	s4 =	sadd.s32 s4, s6;
	[dreg:$0x0] =	wrdreg $0x0  }
0xb7: {  	s6 =	sshll.u32 s28, $0x1;
	[dreg:$0x2] =	wrdreg s4  }
0xb8: {  	[dreg:$0x3] =	wrdreg s6  }
0xb9: {  	[dreg:$0x4] =	wrdreg $0xC0  }
0xba: {  	_ =	task [dreg:s22], $0x5FFFF  }
0xbb: {  	[dreg:$0x1] =	wrdreg $0xFFFFFFFF  }
0xbc: {  	[dreg:$0x0] =	wrdreg $0x60  }
0xbd: {  	[dreg:$0x2] =	wrdreg s24  }
0xbe: {  	[dreg:$0x3] =	wrdreg s18  }
0xbf: {  	[dreg:$0x4] =	wrdreg $0x9  }
0xc0: {  	_ =	task.clear_ibuf [dreg:s22], $0x5FFFF;
	_ =	strace $0x90000049  }
0xc1: {  	s29 =	simm.s32 $0x9;
	_ =	strace $0x8000004B  }
0xc2: {  	_ =	swait.ge [sflag:s29], $0x1  }
0xc3: {  	[sflag:s29] =	ssyncadd.s32 $0xFFFFFFFF  }
0xc4: {  	_ =	strace $0x9000004B  }
0xc5: {  	_ =	sfence  }
0xc6: {  	s30 =	sld [smem:$0x0];
	_ =	sdelay $0x2  }
0xc7: {  	s31 =	sshll.u32 s1, $0xD;
	s1 =	sshrl.u32 s1, $0x2  }
0xc8: {  	s4 =	sand.u32 $0x4000, s31;
	s1 =	sadd.s32 s1, s30  }
0xc9: {  	s0 =	sor.u32 s4, s0;
	s1 =	sshll.u32 s1, $0x11  }
0xca: {  	s0 =	sor.u32 s1, s0  }
0xcb: {  	s0 =	sadd.s32 $0x8F2B, s0  }
0xcc: {  	[sflag:s0] =	ssyncadd.remote.s32 $0x1  }
0xcd: {  	_ =	sfence.sel $0xFFFF  }
0xce: {  	[dreg:$0x0] =	wrdreg $0xFFFFFFFF;
	(pc) =	sbr.abs _section_cstart, $3  }
0xcf: {  	[dreg:$0x1] =	wrdreg $0xFFFFFFFF  }
0xd0: {  	_ =	task.clear_ibuf [dreg:s22], $0x2FFFF;
	_ =	strace $0x9FFFFFFF  }
0xd1: {  	(tm) =	ssettm $0x7FFFFFFF  }
tec
execute0_lowered:
.L_overlay_start_1:
0x0: {  	(tag) =	ssettag $0x1  }
0x1: {  	s1 =	srdreg.scid  }
0x2: {  	s0 =	stileid.u32;
	s26 =	sand.u32 $0x1, s1  }
0x3: {  	s31 =	sshll.u32 s0, $0xB;
	s3 =	sshll.u32 s26, $0xA  }
0x4: {  	s10 =	rddreg [dreg:$0x0];
	s11 =	sor.u32 s3, s31  }
0x5: {  	s2 =	rddreg [dreg:$0x1];
	s3 =	simm.s32 $0x0;
	s4 =	sshrl.u32 s11, $0x3  }
0x6: {  	s5 =	simm.s32 $0x5;
	[smem:$0x7FF] =	sst s3;
	s4 =	sadd.s32 s4, s10  }
0x7: {  	s1 =	rddreg [dreg:$0x2];
	_ =	strace $0x8000004A;
	s4 =	sadd.s32 $0x83000, s4  }
0x8: {  	[tilespmem:s3], [sflag:$0x5] =	stream.linear.gather [hbm4b:s4+s3], $0x400, $0x38;
	[tilespmem:$0x8400] =	vst v63  }
0x9: {  	_ =	swait.ge [sflag:s5], $0x400  }
0xa: {  	[sflag:s5] =	ssyncset.done $0x0  }
0xb: {  	s6 =	simm.s32 $0x80;
	s7 =	simm.s32 $0x400;
	[sflag:s5] =	ssyncadd.s32 $0xFFFFFC00  }
0xc: {  	[tilespmem:s7], [sflag:$0x1] =	stream.indirect.gather [hbm4b:s2+s6], $0x80, s3, s6, $0xb8;
	[tilespmem:$0x8400] =	vst v63  }
0xd: {  	s8 =	simm.s32 $0x4400;
	s9 =	simm.s32 $0x1  }
0xe: {  	[tilespmem:s8], [sflag:$0x2] =	stream.indirect.gather [hbm4b:s2+s6], $0x80, s6, s6, $0xb8;
	[tilespmem:$0x8400] =	vst v63  }
0xf: {  	s11 =	sshll.u32 s11, $0x4;
	_ =	swait.ge [sflag:s9], $0x4000  }
0x10: {  	s28 =	sadd.s32 s11, s10;
	[sflag:s9] =	ssyncset.done $0x0  }
0x11: {  	s11 =	simm.s32 $0x3;
	s10 =	sadd.s32 $0x84000, s28;
	[sflag:s9] =	ssyncadd.s32 $0xFFFFC000  }
0x12: {  	[hbm4b:s10+s3] =	stream.linear.scatter [tilespmem:s7], [sflag:$0x3], $0x4000, $0x38;
	[tilespmem:$0x8400] =	vst v63  }
0x13: {  	_ =	swait.ge [sflag:s11], $0x4000  }
0x14: {  	[sflag:s11] =	ssyncset.done $0x0  }
0x15: {  	s12 =	simm.s32 $0x100;
	s13 =	simm.s32 $0x2;
	[sflag:s11] =	ssyncadd.s32 $0xFFFFC000  }
0x16: {  	[tilespmem:s7], [sflag:$0x1] =	stream.indirect.gather [hbm4b:s2+s6], $0x80, s12, s6, $0xb8;
	[tilespmem:$0x8400] =	vst v63  }
0x17: {  	_ =	swait.ge [sflag:s13], $0x4000  }
0x18: {  	[sflag:s13] =	ssyncset.done $0x0  }
0x19: {  	s14 =	simm.s32 $0x4;
	s15 =	sadd.s32 $0x84800, s28;
	[sflag:s13] =	ssyncadd.s32 $0xFFFFC000  }
0x1a: {  	[hbm4b:s15+s3] =	stream.linear.scatter [tilespmem:s8], [sflag:$0x4], $0x4000, $0x38;
	[tilespmem:$0x8400] =	vst v63  }
0x1b: {  	_ =	swait.ge [sflag:s14], $0x4000  }
0x1c: {  	[sflag:s14] =	ssyncset.done $0x0  }
0x1d: {  	s16 =	simm.s32 $0x180;
	[sflag:s14] =	ssyncadd.s32 $0xFFFFC000  }
0x1e: {  	[tilespmem:s8], [sflag:$0x2] =	stream.indirect.gather [hbm4b:s2+s6], $0x80, s16, s6, $0xb8;
	[tilespmem:$0x8400] =	vst v63  }
0x1f: {  	_ =	swait.ge [sflag:s9], $0x4000  }
0x20: {  	[sflag:s9] =	ssyncset.done $0x0  }
0x21: {  	s17 =	sadd.s32 $0x85000, s28;
	[sflag:s9] =	ssyncadd.s32 $0xFFFFC000  }
0x22: {  	[hbm4b:s17+s3] =	stream.linear.scatter [tilespmem:s7], [sflag:$0x3], $0x4000, $0x38;
	[tilespmem:$0x8400] =	vst v63  }
0x23: {  	_ =	swait.ge [sflag:s11], $0x4000  }
0x24: {  	[sflag:s11] =	ssyncset.done $0x0  }
0x25: {  	s18 =	simm.s32 $0x200;
	[sflag:s11] =	ssyncadd.s32 $0xFFFFC000  }
0x26: {  	[tilespmem:s7], [sflag:$0x1] =	stream.indirect.gather [hbm4b:s2+s6], $0x80, s18, s6, $0xb8;
	[tilespmem:$0x8400] =	vst v63  }
0x27: {  	_ =	swait.ge [sflag:s13], $0x4000  }
0x28: {  	[sflag:s13] =	ssyncset.done $0x0  }
0x29: {  	s19 =	sadd.s32 $0x85800, s28;
	[sflag:s13] =	ssyncadd.s32 $0xFFFFC000  }
0x2a: {  	[hbm4b:s19+s3] =	stream.linear.scatter [tilespmem:s8], [sflag:$0x4], $0x4000, $0x38;
	[tilespmem:$0x8400] =	vst v63  }
0x2b: {  	_ =	swait.ge [sflag:s14], $0x4000  }
0x2c: {  	[sflag:s14] =	ssyncset.done $0x0  }
0x2d: {  	s20 =	simm.s32 $0x280;
	[sflag:s14] =	ssyncadd.s32 $0xFFFFC000  }
0x2e: {  	[tilespmem:s8], [sflag:$0x2] =	stream.indirect.gather [hbm4b:s2+s6], $0x80, s20, s6, $0xb8;
	[tilespmem:$0x8400] =	vst v63  }
0x2f: {  	_ =	swait.ge [sflag:s9], $0x4000  }
0x30: {  	[sflag:s9] =	ssyncset.done $0x0  }
0x31: {  	s21 =	sadd.s32 $0x86000, s28;
	[sflag:s9] =	ssyncadd.s32 $0xFFFFC000  }
0x32: {  	[hbm4b:s21+s3] =	stream.linear.scatter [tilespmem:s7], [sflag:$0x3], $0x4000, $0x38;
	[tilespmem:$0x8400] =	vst v63  }
0x33: {  	_ =	swait.ge [sflag:s11], $0x4000  }
0x34: {  	[sflag:s11] =	ssyncset.done $0x0  }
0x35: {  	s22 =	simm.s32 $0x300;
	[sflag:s11] =	ssyncadd.s32 $0xFFFFC000  }
0x36: {  	[tilespmem:s7], [sflag:$0x1] =	stream.indirect.gather [hbm4b:s2+s6], $0x80, s22, s6, $0xb8;
	[tilespmem:$0x8400] =	vst v63  }
0x37: {  	_ =	swait.ge [sflag:s13], $0x4000  }
0x38: {  	[sflag:s13] =	ssyncset.done $0x0  }
0x39: {  	s23 =	sadd.s32 $0x86800, s28;
	[sflag:s13] =	ssyncadd.s32 $0xFFFFC000  }
0x3a: {  	[hbm4b:s23+s3] =	stream.linear.scatter [tilespmem:s8], [sflag:$0x4], $0x4000, $0x38;
	[tilespmem:$0x8400] =	vst v63  }
0x3b: {  	_ =	swait.ge [sflag:s14], $0x4000  }
0x3c: {  	[sflag:s14] =	ssyncset.done $0x0  }
0x3d: {  	s24 =	simm.s32 $0x380;
	[sflag:s14] =	ssyncadd.s32 $0xFFFFC000  }
0x3e: {  	[tilespmem:s8], [sflag:$0x2] =	stream.indirect.gather [hbm4b:s2+s6], $0x80, s24, s6, $0xb8;
	[tilespmem:$0x8400] =	vst v63  }
0x3f: {  	_ =	swait.ge [sflag:s9], $0x4000  }
0x40: {  	s29 =	ssub.s32 $0x2, s26;
	s25 =	sadd.s32 $0x87000, s28;
	[sflag:s9] =	ssyncset.done $0x0  }
0x41: {  	s26 =	sadd.s32 $0x87800, s28;
	s28 =	sshrl.u32 s29, $0x1;
	[sflag:s9] =	ssyncadd.s32 $0xFFFFC000  }
0x42: {  	[hbm4b:s25+s3] =	stream.linear.scatter [tilespmem:s7], [sflag:$0x3], $0x4000, $0x38;
	[tilespmem:$0x8400] =	vst v63  }
0x43: {  	s28 =	ssub.s32 s29, s28;
	_ =	swait.ge [sflag:s13], $0x4000  }
0x44: {  	s28 =	smax.u32 s28, $0x1;
	[sflag:s13] =	ssyncset.done $0x0  }
0x45: {  	p0 =	sne.s32 s28, $0x1;
	[sflag:s13] =	ssyncadd.s32 $0xFFFFC000  }
0x46: {  	[hbm4b:s26+s3] =	stream.linear.scatter [tilespmem:s8], [sflag:$0x4], $0x4000, $0x38;
	[tilespmem:$0x8400] =	vst v63  }
.Ltmp0:
0x47: {  	_ =	swait.ge [sflag:s11], $0x4000;
	(pc) =	sbr.rel @!p0 .LBB2_2-.Ltmp0, $4  }
0x48: {  	[sflag:s11] =	ssyncset.done $0x0  }
0x49: {  	[sflag:s11] =	ssyncadd.s32 $0xFFFFC000  }
0x4a: {  	_ =	swait.ge [sflag:s14], $0x4000  }
0x4b: {  	s28 =	sadd.s32 $0xFFFFFFFF, s28;
	[sflag:s14] =	ssyncset.done $0x0  }
.LBB2_1:
0x4c: {  	p0 =	sne.s32 s28, $0x1;
	s28 =	sadd.s32 $0xFFFFFFFF, s28;
	[sflag:s14] =	ssyncadd.s32 $0xFFFFC000  }
0x4d: {  	[tilespmem:s3], [sflag:$0x5] =	stream.linear.gather [hbm4b:s4+s3], $0x400, $0x38;
	[tilespmem:$0x8400] =	vst v63  }
0x4e: {  	_ =	swait.ge [sflag:s5], $0x400  }
0x4f: {  	[sflag:s5] =	ssyncset.done $0x0  }
0x50: {  	[sflag:s5] =	ssyncadd.s32 $0xFFFFFC00  }
0x51: {  	[tilespmem:s7], [sflag:$0x1] =	stream.indirect.gather [hbm4b:s2+s6], $0x80, s3, s6, $0xb8;
	[tilespmem:$0x8400] =	vst v63  }
0x52: {  	_ = 	snop  }
0x53: {  	[tilespmem:s8], [sflag:$0x2] =	stream.indirect.gather [hbm4b:s2+s6], $0x80, s6, s6, $0xb8;
	[tilespmem:$0x8400] =	vst v63  }
0x54: {  	_ =	swait.ge [sflag:s9], $0x4000  }
0x55: {  	[sflag:s9] =	ssyncset.done $0x0  }
0x56: {  	[sflag:s9] =	ssyncadd.s32 $0xFFFFC000  }
0x57: {  	[hbm4b:s10+s3] =	stream.linear.scatter [tilespmem:s7], [sflag:$0x3], $0x4000, $0x38;
	[tilespmem:$0x8400] =	vst v63  }
0x58: {  	_ =	swait.ge [sflag:s11], $0x4000  }
0x59: {  	[sflag:s11] =	ssyncset.done $0x0  }
0x5a: {  	[sflag:s11] =	ssyncadd.s32 $0xFFFFC000  }
0x5b: {  	[tilespmem:s7], [sflag:$0x1] =	stream.indirect.gather [hbm4b:s2+s6], $0x80, s12, s6, $0xb8;
	[tilespmem:$0x8400] =	vst v63  }
0x5c: {  	_ =	swait.ge [sflag:s13], $0x4000  }
0x5d: {  	[sflag:s13] =	ssyncset.done $0x0  }
0x5e: {  	[sflag:s13] =	ssyncadd.s32 $0xFFFFC000  }
0x5f: {  	[hbm4b:s15+s3] =	stream.linear.scatter [tilespmem:s8], [sflag:$0x4], $0x4000, $0x38;
	[tilespmem:$0x8400] =	vst v63  }
0x60: {  	_ =	swait.ge [sflag:s14], $0x4000  }
0x61: {  	[sflag:s14] =	ssyncset.done $0x0  }
0x62: {  	[sflag:s14] =	ssyncadd.s32 $0xFFFFC000  }
0x63: {  	[tilespmem:s8], [sflag:$0x2] =	stream.indirect.gather [hbm4b:s2+s6], $0x80, s16, s6, $0xb8;
	[tilespmem:$0x8400] =	vst v63  }
0x64: {  	_ =	swait.ge [sflag:s9], $0x4000  }
0x65: {  	[sflag:s9] =	ssyncset.done $0x0  }
0x66: {  	[sflag:s9] =	ssyncadd.s32 $0xFFFFC000  }
0x67: {  	[hbm4b:s17+s3] =	stream.linear.scatter [tilespmem:s7], [sflag:$0x3], $0x4000, $0x38;
	[tilespmem:$0x8400] =	vst v63  }
0x68: {  	_ =	swait.ge [sflag:s11], $0x4000  }
0x69: {  	[sflag:s11] =	ssyncset.done $0x0  }
0x6a: {  	[sflag:s11] =	ssyncadd.s32 $0xFFFFC000  }
0x6b: {  	[tilespmem:s7], [sflag:$0x1] =	stream.indirect.gather [hbm4b:s2+s6], $0x80, s18, s6, $0xb8;
	[tilespmem:$0x8400] =	vst v63  }
0x6c: {  	_ =	swait.ge [sflag:s13], $0x4000  }
0x6d: {  	[sflag:s13] =	ssyncset.done $0x0  }
0x6e: {  	[sflag:s13] =	ssyncadd.s32 $0xFFFFC000  }
0x6f: {  	[hbm4b:s19+s3] =	stream.linear.scatter [tilespmem:s8], [sflag:$0x4], $0x4000, $0x38;
	[tilespmem:$0x8400] =	vst v63  }
0x70: {  	_ =	swait.ge [sflag:s14], $0x4000  }
0x71: {  	[sflag:s14] =	ssyncset.done $0x0  }
0x72: {  	[sflag:s14] =	ssyncadd.s32 $0xFFFFC000  }
0x73: {  	[tilespmem:s8], [sflag:$0x2] =	stream.indirect.gather [hbm4b:s2+s6], $0x80, s20, s6, $0xb8;
	[tilespmem:$0x8400] =	vst v63  }
0x74: {  	_ =	swait.ge [sflag:s9], $0x4000  }
0x75: {  	[sflag:s9] =	ssyncset.done $0x0  }
0x76: {  	[sflag:s9] =	ssyncadd.s32 $0xFFFFC000  }
0x77: {  	[hbm4b:s21+s3] =	stream.linear.scatter [tilespmem:s7], [sflag:$0x3], $0x4000, $0x38;
	[tilespmem:$0x8400] =	vst v63  }
0x78: {  	_ =	swait.ge [sflag:s11], $0x4000  }
0x79: {  	[sflag:s11] =	ssyncset.done $0x0  }
0x7a: {  	[sflag:s11] =	ssyncadd.s32 $0xFFFFC000  }
0x7b: {  	[tilespmem:s7], [sflag:$0x1] =	stream.indirect.gather [hbm4b:s2+s6], $0x80, s22, s6, $0xb8;
	[tilespmem:$0x8400] =	vst v63  }
0x7c: {  	_ =	swait.ge [sflag:s13], $0x4000  }
0x7d: {  	[sflag:s13] =	ssyncset.done $0x0  }
0x7e: {  	[sflag:s13] =	ssyncadd.s32 $0xFFFFC000  }
0x7f: {  	[hbm4b:s23+s3] =	stream.linear.scatter [tilespmem:s8], [sflag:$0x4], $0x4000, $0x38;
	[tilespmem:$0x8400] =	vst v63  }
0x80: {  	_ =	swait.ge [sflag:s14], $0x4000  }
0x81: {  	[sflag:s14] =	ssyncset.done $0x0  }
0x82: {  	[sflag:s14] =	ssyncadd.s32 $0xFFFFC000  }
0x83: {  	[tilespmem:s8], [sflag:$0x2] =	stream.indirect.gather [hbm4b:s2+s6], $0x80, s24, s6, $0xb8;
	[tilespmem:$0x8400] =	vst v63  }
0x84: {  	_ =	swait.ge [sflag:s9], $0x4000  }
0x85: {  	[sflag:s9] =	ssyncset.done $0x0  }
0x86: {  	[sflag:s9] =	ssyncadd.s32 $0xFFFFC000  }
0x87: {  	[hbm4b:s25+s3] =	stream.linear.scatter [tilespmem:s7], [sflag:$0x3], $0x4000, $0x38;
	[tilespmem:$0x8400] =	vst v63  }
0x88: {  	_ =	swait.ge [sflag:s13], $0x4000  }
0x89: {  	[sflag:s13] =	ssyncset.done $0x0  }
0x8a: {  	[sflag:s13] =	ssyncadd.s32 $0xFFFFC000  }
0x8b: {  	[hbm4b:s26+s3] =	stream.linear.scatter [tilespmem:s8], [sflag:$0x4], $0x4000, $0x38;
	[tilespmem:$0x8400] =	vst v63  }
.Ltmp1:
0x8c: {  	_ =	swait.ge [sflag:s11], $0x4000;
	(pc) =	sbr.rel @p0 .LBB2_1-.Ltmp1, $4  }
0x8d: {  	[sflag:s11] =	ssyncset.done $0x0  }
0x8e: {  	[sflag:s11] =	ssyncadd.s32 $0xFFFFC000  }
0x8f: {  	_ =	swait.ge [sflag:s14], $0x4000  }
0x90: {  	[sflag:s14] =	ssyncset.done $0x0  }
.LBB2_2:
0x91: {  	[sflag:s14] =	ssyncadd.s32 $0xFFFFC000  }
0x92: {  	_ =	sfence.sel $0x180000  }
0x93: {  	[bflag:$0x0] =	sbarrier.arrive $0xFFFF  }
0x94: {  	p0 =	sne.s32 s0, $0x0;
	_ =	strace $0x9000004A  }
0x95: {  	s0 =	sadd.s32 @!p0 $0x100000, s1;
	[bflag:$0x2] =	sbarrier.arrive $0xFFFF  }
0x96: {  	[sflag:s0] =	ssyncadd.tile.s32 @!p0 $0x1;
	_ =	shalt  }
.Lfunc_end2:
_tile_overlayer_lowered:
.L_overlay_start_2:
0x97: {  	(tag) =	ssettag $0x2  }
0x98: {  	s0 =	rddreg [dreg:$0x0];
	s2 =	stileid.u32  }
0x99: {  	s1 =	rddreg [dreg:$0x1];
	p0 =	sne.s32 s2, $0x0  }
0x9a: {  	s3 =	rddreg [dreg:$0x2];
	[bflag:$0x3] =	sbarrier.arrive $0xFFFF;
	s2 =	simm.s32 @!p0 $0x1C05  }
0x9b: {  	[timem:s3], [sflag:s2] =	dma.local @!p0 [hbm:s0], s1  }
0x9c: {  	s0 =	simm.s32 @!p0 $0x5  }
0x9d: {  	_ =	swait.ge @!p0 [sflag:s0], s1  }
0x9e: {  	s1 =	ssub.s32 @!p0 $0x0, s1;
	[sflag:s0] =	ssyncset.done @!p0 $0x0  }
0x9f: {  	[sflag:s0] =	ssyncadd.s32 @!p0 s1  }
0xa0: {  	[bflag:$0x3] =	sbarrier.arrive $0xFFFF  }
0xa1: {  	_ =	shalt  }

</sc_bundles>
